<compile_context>
chip_gen: v7x
topology: tpu7x:2x2x1
jax: 0.10.2.dev20260603
libtpu: 0.0.44.dev20260713+nightly
codegen_flags: <defaults>
</compile_context>

<pallas_src>
import functools

import jax
import jax.numpy as jnp
from jax import lax
from jax.experimental import pallas as pl
from jax.experimental.pallas import tpu as pltpu
from jax.experimental.pallas import tpu_sc as plsc

NUM_NODES = 1000000
EMBED_DIM = 64

_NBATCH = 16384
_S = 50
_SP = 56
_NW = 32
_BPW = _NBATCH // _NW
_SB = 4
_NB = 4
_T = _BPW // (_SB * _NB)


def _make_gather():
    mesh = plsc.VectorSubcoreMesh(core_axis_name="c", subcore_axis_name="s")

    @functools.partial(
        pl.kernel,
        out_type=jax.ShapeDtypeStruct((_NBATCH, _S, EMBED_DIM), jnp.float32),
        mesh=mesh,
        scratch_types=(
            [pltpu.VMEM((_BPW * _SP,), jnp.int32)]
            + [pltpu.VMEM((_SB, _S, EMBED_DIM), jnp.float32)] * _NB
            + [pltpu.SemaphoreType.DMA] * (2 * _NB)
        ),
        compiler_params=pltpu.CompilerParams(use_tc_tiling_on_sc=False),
    )
    def gather_kernel(idx_hbm, table_hbm, out_hbm, idx_v, *bufs_and_sems):
        bufs = bufs_and_sems[:_NB]
        gsem = bufs_and_sems[_NB:2 * _NB]
        ssem = bufs_and_sems[2 * _NB:]

        wid = lax.axis_index("s") * 2 + lax.axis_index("c")
        b_base = wid * _BPW
        pltpu.sync_copy(idx_hbm.at[pl.ds(b_base * _SP, _BPW * _SP)], idx_v)

        def issue_gathers(blk, b):
            for k in range(_SB):
                pltpu.async_copy(
                    table_hbm.at[idx_v.at[pl.ds((blk * _SB + k) * _SP, _S)]],
                    bufs[b].at[k],
                    gsem[b])

        for b in range(_NB):
            issue_gathers(b, b)

        def body(t, carry):
            for b in range(_NB):
                blk = t * _NB + b
                for k in range(_SB):
                    pltpu.make_async_copy(
                        table_hbm.at[idx_v.at[pl.ds(0, _S)]],
                        bufs[b].at[k],
                        gsem[b]).wait()
                pltpu.async_copy(
                    bufs[b],
                    out_hbm.at[pl.ds(b_base + blk * _SB, _SB)],
                    ssem[b])
            for b in range(_NB):
                pltpu.make_async_copy(
                    bufs[b], out_hbm.at[pl.ds(0, _SB)], ssem[b]).wait()
                pl.when(t != _T - 1)(
                    functools.partial(issue_gathers, (t + 1) * _NB + b, b))
            return carry

        lax.fori_loop(0, _T, body, 0, unroll=False)

    return gather_kernel


_gather_cache = []


def kernel(indices, weight):
    if not _gather_cache:
        _gather_cache.append(_make_gather())
    idxp = jnp.pad(indices.astype(jnp.int32), ((0, 0), (0, _SP - _S)))
    return _gather_cache[0](idxp.reshape(-1), weight)

# --- scband reference (transcript-rebuilt; emitter-appended) ---
"""Pipeline reference for scband-euclidean-embedding-55113020342636 (READ-ONLY COPY).

The authoritative reference and input builder live on the scoring server;
editing this copy changes nothing except your own understanding.
"""

import jax, jax.numpy as jnp
import numpy as np

NUM_NODES = 1000000
EMBED_DIM = 64

def setup_inputs(seed: int = 0) -> dict:
    key = jax.random.key(seed)
    k_idx, k_w = jax.random.split(key)
    indices = jax.random.randint(k_idx, (16384, 50), 0, NUM_NODES, dtype=jnp.int64 if jax.config.jax_enable_x64 else jnp.int32)
    # Xavier uniform init for embedding table: limit = sqrt(6 / (fan_in + fan_out))
    limit = float(np.sqrt(6.0 / (NUM_NODES + EMBED_DIM)))
    weight = jax.random.uniform(k_w, (NUM_NODES, EMBED_DIM), minval=-limit, maxval=limit, dtype=jnp.float32)
    return {"indices": indices, "weight": weight}

def reference(indices, weight):
    # nn.Embedding forward: gather rows of the table
    return jnp.take(weight, indices, axis=0)

if __name__ == "__main__":
    import jax
    _d = setup_inputs()
    print(jax.jit(kernel)(*tuple(_d.values())))

</pallas_src>

<mosaic_0001>
#map = affine_map<(d0, d1) -> (0)>
#map1 = affine_map<(d0, d1) -> (0, 0)>
#map2 = affine_map<(d0, d1) -> (0, 0, 0)>
module attributes {stable_mosaic.version = 14 : i64} {
  func.func @gather_kernel(%arg0: i32, %arg1: i32, %arg2: memref<917504xi32, #tpu.memory_space<hbm>>, %arg3: memref<1000000x64xf32, #tpu.memory_space<hbm>>, %arg4: memref<16384x50x64xf32, #tpu.memory_space<hbm>>, %arg5: memref<28672xi32, #tpu.memory_space<vmem>>, %arg6: memref<4x50x64xf32, #tpu.memory_space<vmem>>, %arg7: memref<4x50x64xf32, #tpu.memory_space<vmem>>, %arg8: memref<4x50x64xf32, #tpu.memory_space<vmem>>, %arg9: memref<4x50x64xf32, #tpu.memory_space<vmem>>, %arg10: memref<!tpu.dma_semaphore, #tpu.memory_space<semaphore_mem>>, %arg11: memref<!tpu.dma_semaphore, #tpu.memory_space<semaphore_mem>>, %arg12: memref<!tpu.dma_semaphore, #tpu.memory_space<semaphore_mem>>, %arg13: memref<!tpu.dma_semaphore, #tpu.memory_space<semaphore_mem>>, %arg14: memref<!tpu.dma_semaphore, #tpu.memory_space<semaphore_mem>>, %arg15: memref<!tpu.dma_semaphore, #tpu.memory_space<semaphore_mem>>, %arg16: memref<!tpu.dma_semaphore, #tpu.memory_space<semaphore_mem>>, %arg17: memref<!tpu.dma_semaphore, #tpu.memory_space<semaphore_mem>>) attributes {dimension_semantics = [#tpu.dimension_semantics<core_parallel>, #tpu.dimension_semantics<subcore_parallel>], iteration_bounds = array<i64: 2, 16>, scalar_prefetch = 0 : i64, scratch_operands = 13 : i64, tpu.core_type = #tpu.core_type<sc_vector_subcore>, window_params = [{transform_indices = #map}, {transform_indices = #map1}, {transform_indices = #map2}]} {
    %mul3A = arith.constant 2 : i32
    %mul3A_0 = arith.muli %arg1, %mul3A : i32
    %add3A = arith.addi %mul3A_0, %arg0 : i32
    %mul3A_1 = arith.constant 512 : i32
    %mul3A_2 = arith.muli %add3A, %mul3A_1 : i32
    %mul3A_3 = arith.constant 56 : i32
    %mul3A_4 = arith.muli %mul3A_2, %mul3A_3 : i32
    "tpu.region"() ({
      %run_scoped3A = tpu.sem_alloc : memref<!tpu.dma_semaphore, #tpu.memory_space<semaphore_mem>>
      %dma_start3A_169 = tpu.memref_slice %arg2[%mul3A_4] : memref<917504xi32, #tpu.memory_space<hbm>> -> memref<28672xi32, #tpu.memory_space<hbm>>
      %dma_start3A_170 = tpu.memref_slice %arg2[%mul3A_4] : memref<917504xi32, #tpu.memory_space<hbm>> -> memref<28672xi32, #tpu.memory_space<hbm>>
      tpu.enqueue_dma source(%dma_start3A_170 : memref<28672xi32, #tpu.memory_space<hbm>>) target(%arg5 : memref<28672xi32, #tpu.memory_space<vmem>>) target_semaphore(%run_scoped3A : memref<!tpu.dma_semaphore, #tpu.memory_space<semaphore_mem>>)
      %dma_wait3A = tpu.memref_slice %arg2[%mul3A_4] : memref<917504xi32, #tpu.memory_space<hbm>> -> memref<28672xi32, #tpu.memory_space<hbm>>
      %dma_wait3A_171 = tpu.memref_slice %arg2[%mul3A_4] : memref<917504xi32, #tpu.memory_space<hbm>> -> memref<28672xi32, #tpu.memory_space<hbm>>
      tpu.wait_dma2 semaphore(%run_scoped3A : memref<!tpu.dma_semaphore, #tpu.memory_space<semaphore_mem>>) src(%dma_wait3A_171 : memref<28672xi32, #tpu.memory_space<hbm>>) dst(%arg5 : memref<28672xi32, #tpu.memory_space<vmem>>)
      tpu.yield
    }) : () -> ()
    %dma_start3A = arith.constant 0 : i32
    %dma_start3A_5 = arith.constant 0 : i32
    %dma_start3A_6 = arith.constant 0 : i32
    %dma_start3A_7 = tpu.memref_slice %arg6[%dma_start3A, %dma_start3A_5, %dma_start3A_6] : memref<4x50x64xf32, #tpu.memory_space<vmem>> -> memref<1x50x64xf32, #tpu.memory_space<vmem>>
    %dma_start3A_8 = tpu.memref_squeeze %dma_start3A_7 : memref<1x50x64xf32, #tpu.memory_space<vmem>> -> memref<50x64xf32, #tpu.memory_space<vmem>>
    %dma_start3A_9 = arith.constant 0 : i32
    %dma_start3A_10 = tpu.memref_slice %arg5[%dma_start3A_9] : memref<28672xi32, #tpu.memory_space<vmem>> -> memref<50xi32, #tpu.memory_space<vmem>>
    %dma_start3A_11 = arith.constant 0 : i32
    %dma_start3A_12 = arith.constant 0 : i32
    %dma_start3A_13 = tpu.memref_slice %arg3[%dma_start3A_11, %dma_start3A_12] : memref<1000000x64xf32, #tpu.memory_space<hbm>> -> memref<1000000x64xf32, #tpu.memory_space<hbm>>
    tpu.enqueue_indirect_dma source(%dma_start3A_13 : memref<1000000x64xf32, #tpu.memory_space<hbm>>) target(%dma_start3A_8 : memref<50x64xf32, #tpu.memory_space<vmem>>) offsets(%dma_start3A_10 : memref<50xi32, #tpu.memory_space<vmem>>) semaphore(%arg10 : memref<!tpu.dma_semaphore, #tpu.memory_space<semaphore_mem>>)
    %dma_start3A_14 = arith.constant 1 : i32
    %dma_start3A_15 = arith.constant 0 : i32
    %dma_start3A_16 = arith.constant 0 : i32
    %dma_start3A_17 = tpu.memref_slice %arg6[%dma_start3A_14, %dma_start3A_15, %dma_start3A_16] : memref<4x50x64xf32, #tpu.memory_space<vmem>> -> memref<1x50x64xf32, #tpu.memory_space<vmem>>
    %dma_start3A_18 = tpu.memref_squeeze %dma_start3A_17 : memref<1x50x64xf32, #tpu.memory_space<vmem>> -> memref<50x64xf32, #tpu.memory_space<vmem>>
    %dma_start3A_19 = arith.constant 56 : i32
    %dma_start3A_20 = tpu.memref_slice %arg5[%dma_start3A_19] : memref<28672xi32, #tpu.memory_space<vmem>> -> memref<50xi32, #tpu.memory_space<vmem>>
    %dma_start3A_21 = arith.constant 0 : i32
    %dma_start3A_22 = arith.constant 0 : i32
    %dma_start3A_23 = tpu.memref_slice %arg3[%dma_start3A_21, %dma_start3A_22] : memref<1000000x64xf32, #tpu.memory_space<hbm>> -> memref<1000000x64xf32, #tpu.memory_space<hbm>>
    tpu.enqueue_indirect_dma source(%dma_start3A_23 : memref<1000000x64xf32, #tpu.memory_space<hbm>>) target(%dma_start3A_18 : memref<50x64xf32, #tpu.memory_space<vmem>>) offsets(%dma_start3A_20 : memref<50xi32, #tpu.memory_space<vmem>>) semaphore(%arg10 : memref<!tpu.dma_semaphore, #tpu.memory_space<semaphore_mem>>)
    %dma_start3A_24 = arith.constant 2 : i32
    %dma_start3A_25 = arith.constant 0 : i32
    %dma_start3A_26 = arith.constant 0 : i32
    %dma_start3A_27 = tpu.memref_slice %arg6[%dma_start3A_24, %dma_start3A_25, %dma_start3A_26] : memref<4x50x64xf32, #tpu.memory_space<vmem>> -> memref<1x50x64xf32, #tpu.memory_space<vmem>>
    %dma_start3A_28 = tpu.memref_squeeze %dma_start3A_27 : memref<1x50x64xf32, #tpu.memory_space<vmem>> -> memref<50x64xf32, #tpu.memory_space<vmem>>
    %dma_start3A_29 = arith.constant 112 : i32
    %dma_start3A_30 = tpu.memref_slice %arg5[%dma_start3A_29] : memref<28672xi32, #tpu.memory_space<vmem>> -> memref<50xi32, #tpu.memory_space<vmem>>
    %dma_start3A_31 = arith.constant 0 : i32
    %dma_start3A_32 = arith.constant 0 : i32
    %dma_start3A_33 = tpu.memref_slice %arg3[%dma_start3A_31, %dma_start3A_32] : memref<1000000x64xf32, #tpu.memory_space<hbm>> -> memref<1000000x64xf32, #tpu.memory_space<hbm>>
    tpu.enqueue_indirect_dma source(%dma_start3A_33 : memref<1000000x64xf32, #tpu.memory_space<hbm>>) target(%dma_start3A_28 : memref<50x64xf32, #tpu.memory_space<vmem>>) offsets(%dma_start3A_30 : memref<50xi32, #tpu.memory_space<vmem>>) semaphore(%arg10 : memref<!tpu.dma_semaphore, #tpu.memory_space<semaphore_mem>>)
    %dma_start3A_34 = arith.constant 3 : i32
    %dma_start3A_35 = arith.constant 0 : i32
    %dma_start3A_36 = arith.constant 0 : i32
    %dma_start3A_37 = tpu.memref_slice %arg6[%dma_start3A_34, %dma_start3A_35, %dma_start3A_36] : memref<4x50x64xf32, #tpu.memory_space<vmem>> -> memref<1x50x64xf32, #tpu.memory_space<vmem>>
    %dma_start3A_38 = tpu.memref_squeeze %dma_start3A_37 : memref<1x50x64xf32, #tpu.memory_space<vmem>> -> memref<50x64xf32, #tpu.memory_space<vmem>>
    %dma_start3A_39 = arith.constant 168 : i32
    %dma_start3A_40 = tpu.memref_slice %arg5[%dma_start3A_39] : memref<28672xi32, #tpu.memory_space<vmem>> -> memref<50xi32, #tpu.memory_space<vmem>>
    %dma_start3A_41 = arith.constant 0 : i32
    %dma_start3A_42 = arith.constant 0 : i32
    %dma_start3A_43 = tpu.memref_slice %arg3[%dma_start3A_41, %dma_start3A_42] : memref<1000000x64xf32, #tpu.memory_space<hbm>> -> memref<1000000x64xf32, #tpu.memory_space<hbm>>
    tpu.enqueue_indirect_dma source(%dma_start3A_43 : memref<1000000x64xf32, #tpu.memory_space<hbm>>) target(%dma_start3A_38 : memref<50x64xf32, #tpu.memory_space<vmem>>) offsets(%dma_start3A_40 : memref<50xi32, #tpu.memory_space<vmem>>) semaphore(%arg10 : memref<!tpu.dma_semaphore, #tpu.memory_space<semaphore_mem>>)
    %dma_start3A_44 = arith.constant 0 : i32
    %dma_start3A_45 = arith.constant 0 : i32
    %dma_start3A_46 = arith.constant 0 : i32
    %dma_start3A_47 = tpu.memref_slice %arg7[%dma_start3A_44, %dma_start3A_45, %dma_start3A_46] : memref<4x50x64xf32, #tpu.memory_space<vmem>> -> memref<1x50x64xf32, #tpu.memory_space<vmem>>
    %dma_start3A_48 = tpu.memref_squeeze %dma_start3A_47 : memref<1x50x64xf32, #tpu.memory_space<vmem>> -> memref<50x64xf32, #tpu.memory_space<vmem>>
    %dma_start3A_49 = arith.constant 224 : i32
    %dma_start3A_50 = tpu.memref_slice %arg5[%dma_start3A_49] : memref<28672xi32, #tpu.memory_space<vmem>> -> memref<50xi32, #tpu.memory_space<vmem>>
    %dma_start3A_51 = arith.constant 0 : i32
    %dma_start3A_52 = arith.constant 0 : i32
    %dma_start3A_53 = tpu.memref_slice %arg3[%dma_start3A_51, %dma_start3A_52] : memref<1000000x64xf32, #tpu.memory_space<hbm>> -> memref<1000000x64xf32, #tpu.memory_space<hbm>>
    tpu.enqueue_indirect_dma source(%dma_start3A_53 : memref<1000000x64xf32, #tpu.memory_space<hbm>>) target(%dma_start3A_48 : memref<50x64xf32, #tpu.memory_space<vmem>>) offsets(%dma_start3A_50 : memref<50xi32, #tpu.memory_space<vmem>>) semaphore(%arg11 : memref<!tpu.dma_semaphore, #tpu.memory_space<semaphore_mem>>)
    %dma_start3A_54 = arith.constant 1 : i32
    %dma_start3A_55 = arith.constant 0 : i32
    %dma_start3A_56 = arith.constant 0 : i32
    %dma_start3A_57 = tpu.memref_slice %arg7[%dma_start3A_54, %dma_start3A_55, %dma_start3A_56] : memref<4x50x64xf32, #tpu.memory_space<vmem>> -> memref<1x50x64xf32, #tpu.memory_space<vmem>>
    %dma_start3A_58 = tpu.memref_squeeze %dma_start3A_57 : memref<1x50x64xf32, #tpu.memory_space<vmem>> -> memref<50x64xf32, #tpu.memory_space<vmem>>
    %dma_start3A_59 = arith.constant 280 : i32
    %dma_start3A_60 = tpu.memref_slice %arg5[%dma_start3A_59] : memref<28672xi32, #tpu.memory_space<vmem>> -> memref<50xi32, #tpu.memory_space<vmem>>
    %dma_start3A_61 = arith.constant 0 : i32
    %dma_start3A_62 = arith.constant 0 : i32
    %dma_start3A_63 = tpu.memref_slice %arg3[%dma_start3A_61, %dma_start3A_62] : memref<1000000x64xf32, #tpu.memory_space<hbm>> -> memref<1000000x64xf32, #tpu.memory_space<hbm>>
    tpu.enqueue_indirect_dma source(%dma_start3A_63 : memref<1000000x64xf32, #tpu.memory_space<hbm>>) target(%dma_start3A_58 : memref<50x64xf32, #tpu.memory_space<vmem>>) offsets(%dma_start3A_60 : memref<50xi32, #tpu.memory_space<vmem>>) semaphore(%arg11 : memref<!tpu.dma_semaphore, #tpu.memory_space<semaphore_mem>>)
    %dma_start3A_64 = arith.constant 2 : i32
    %dma_start3A_65 = arith.constant 0 : i32
    %dma_start3A_66 = arith.constant 0 : i32
    %dma_start3A_67 = tpu.memref_slice %arg7[%dma_start3A_64, %dma_start3A_65, %dma_start3A_66] : memref<4x50x64xf32, #tpu.memory_space<vmem>> -> memref<1x50x64xf32, #tpu.memory_space<vmem>>
    %dma_start3A_68 = tpu.memref_squeeze %dma_start3A_67 : memref<1x50x64xf32, #tpu.memory_space<vmem>> -> memref<50x64xf32, #tpu.memory_space<vmem>>
    %dma_start3A_69 = arith.constant 336 : i32
    %dma_start3A_70 = tpu.memref_slice %arg5[%dma_start3A_69] : memref<28672xi32, #tpu.memory_space<vmem>> -> memref<50xi32, #tpu.memory_space<vmem>>
    %dma_start3A_71 = arith.constant 0 : i32
    %dma_start3A_72 = arith.constant 0 : i32
    %dma_start3A_73 = tpu.memref_slice %arg3[%dma_start3A_71, %dma_start3A_72] : memref<1000000x64xf32, #tpu.memory_space<hbm>> -> memref<1000000x64xf32, #tpu.memory_space<hbm>>
    tpu.enqueue_indirect_dma source(%dma_start3A_73 : memref<1000000x64xf32, #tpu.memory_space<hbm>>) target(%dma_start3A_68 : memref<50x64xf32, #tpu.memory_space<vmem>>) offsets(%dma_start3A_70 : memref<50xi32, #tpu.memory_space<vmem>>) semaphore(%arg11 : memref<!tpu.dma_semaphore, #tpu.memory_space<semaphore_mem>>)
    %dma_start3A_74 = arith.constant 3 : i32
    %dma_start3A_75 = arith.constant 0 : i32
    %dma_start3A_76 = arith.constant 0 : i32
    %dma_start3A_77 = tpu.memref_slice %arg7[%dma_start3A_74, %dma_start3A_75, %dma_start3A_76] : memref<4x50x64xf32, #tpu.memory_space<vmem>> -> memref<1x50x64xf32, #tpu.memory_space<vmem>>
    %dma_start3A_78 = tpu.memref_squeeze %dma_start3A_77 : memref<1x50x64xf32, #tpu.memory_space<vmem>> -> memref<50x64xf32, #tpu.memory_space<vmem>>
    %dma_start3A_79 = arith.constant 392 : i32
    %dma_start3A_80 = tpu.memref_slice %arg5[%dma_start3A_79] : memref<28672xi32, #tpu.memory_space<vmem>> -> memref<50xi32, #tpu.memory_space<vmem>>
    %dma_start3A_81 = arith.constant 0 : i32
    %dma_start3A_82 = arith.constant 0 : i32
    %dma_start3A_83 = tpu.memref_slice %arg3[%dma_start3A_81, %dma_start3A_82] : memref<1000000x64xf32, #tpu.memory_space<hbm>> -> memref<1000000x64xf32, #tpu.memory_space<hbm>>
    tpu.enqueue_indirect_dma source(%dma_start3A_83 : memref<1000000x64xf32, #tpu.memory_space<hbm>>) target(%dma_start3A_78 : memref<50x64xf32, #tpu.memory_space<vmem>>) offsets(%dma_start3A_80 : memref<50xi32, #tpu.memory_space<vmem>>) semaphore(%arg11 : memref<!tpu.dma_semaphore, #tpu.memory_space<semaphore_mem>>)
    %dma_start3A_84 = arith.constant 0 : i32
    %dma_start3A_85 = arith.constant 0 : i32
    %dma_start3A_86 = arith.constant 0 : i32
    %dma_start3A_87 = tpu.memref_slice %arg8[%dma_start3A_84, %dma_start3A_85, %dma_start3A_86] : memref<4x50x64xf32, #tpu.memory_space<vmem>> -> memref<1x50x64xf32, #tpu.memory_space<vmem>>
    %dma_start3A_88 = tpu.memref_squeeze %dma_start3A_87 : memref<1x50x64xf32, #tpu.memory_space<vmem>> -> memref<50x64xf32, #tpu.memory_space<vmem>>
    %dma_start3A_89 = arith.constant 448 : i32
    %dma_start3A_90 = tpu.memref_slice %arg5[%dma_start3A_89] : memref<28672xi32, #tpu.memory_space<vmem>> -> memref<50xi32, #tpu.memory_space<vmem>>
    %dma_start3A_91 = arith.constant 0 : i32
    %dma_start3A_92 = arith.constant 0 : i32
    %dma_start3A_93 = tpu.memref_slice %arg3[%dma_start3A_91, %dma_start3A_92] : memref<1000000x64xf32, #tpu.memory_space<hbm>> -> memref<1000000x64xf32, #tpu.memory_space<hbm>>
    tpu.enqueue_indirect_dma source(%dma_start3A_93 : memref<1000000x64xf32, #tpu.memory_space<hbm>>) target(%dma_start3A_88 : memref<50x64xf32, #tpu.memory_space<vmem>>) offsets(%dma_start3A_90 : memref<50xi32, #tpu.memory_space<vmem>>) semaphore(%arg12 : memref<!tpu.dma_semaphore, #tpu.memory_space<semaphore_mem>>)
    %dma_start3A_94 = arith.constant 1 : i32
    %dma_start3A_95 = arith.constant 0 : i32
    %dma_start3A_96 = arith.constant 0 : i32
    %dma_start3A_97 = tpu.memref_slice %arg8[%dma_start3A_94, %dma_start3A_95, %dma_start3A_96] : memref<4x50x64xf32, #tpu.memory_space<vmem>> -> memref<1x50x64xf32, #tpu.memory_space<vmem>>
    %dma_start3A_98 = tpu.memref_squeeze %dma_start3A_97 : memref<1x50x64xf32, #tpu.memory_space<vmem>> -> memref<50x64xf32, #tpu.memory_space<vmem>>
    %dma_start3A_99 = arith.constant 504 : i32
    %dma_start3A_100 = tpu.memref_slice %arg5[%dma_start3A_99] : memref<28672xi32, #tpu.memory_space<vmem>> -> memref<50xi32, #tpu.memory_space<vmem>>
    %dma_start3A_101 = arith.constant 0 : i32
    %dma_start3A_102 = arith.constant 0 : i32
    %dma_start3A_103 = tpu.memref_slice %arg3[%dma_start3A_101, %dma_start3A_102] : memref<1000000x64xf32, #tpu.memory_space<hbm>> -> memref<1000000x64xf32, #tpu.memory_space<hbm>>
    tpu.enqueue_indirect_dma source(%dma_start3A_103 : memref<1000000x64xf32, #tpu.memory_space<hbm>>) target(%dma_start3A_98 : memref<50x64xf32, #tpu.memory_space<vmem>>) offsets(%dma_start3A_100 : memref<50xi32, #tpu.memory_space<vmem>>) semaphore(%arg12 : memref<!tpu.dma_semaphore, #tpu.memory_space<semaphore_mem>>)
    %dma_start3A_104 = arith.constant 2 : i32
    %dma_start3A_105 = arith.constant 0 : i32
    %dma_start3A_106 = arith.constant 0 : i32
    %dma_start3A_107 = tpu.memref_slice %arg8[%dma_start3A_104, %dma_start3A_105, %dma_start3A_106] : memref<4x50x64xf32, #tpu.memory_space<vmem>> -> memref<1x50x64xf32, #tpu.memory_space<vmem>>
    %dma_start3A_108 = tpu.memref_squeeze %dma_start3A_107 : memref<1x50x64xf32, #tpu.memory_space<vmem>> -> memref<50x64xf32, #tpu.memory_space<vmem>>
    %dma_start3A_109 = arith.constant 560 : i32
    %dma_start3A_110 = tpu.memref_slice %arg5[%dma_start3A_109] : memref<28672xi32, #tpu.memory_space<vmem>> -> memref<50xi32, #tpu.memory_space<vmem>>
    %dma_start3A_111 = arith.constant 0 : i32
    %dma_start3A_112 = arith.constant 0 : i32
    %dma_start3A_113 = tpu.memref_slice %arg3[%dma_start3A_111, %dma_start3A_112] : memref<1000000x64xf32, #tpu.memory_space<hbm>> -> memref<1000000x64xf32, #tpu.memory_space<hbm>>
    tpu.enqueue_indirect_dma source(%dma_start3A_113 : memref<1000000x64xf32, #tpu.memory_space<hbm>>) target(%dma_start3A_108 : memref<50x64xf32, #tpu.memory_space<vmem>>) offsets(%dma_start3A_110 : memref<50xi32, #tpu.memory_space<vmem>>) semaphore(%arg12 : memref<!tpu.dma_semaphore, #tpu.memory_space<semaphore_mem>>)
    %dma_start3A_114 = arith.constant 3 : i32
    %dma_start3A_115 = arith.constant 0 : i32
    %dma_start3A_116 = arith.constant 0 : i32
    %dma_start3A_117 = tpu.memref_slice %arg8[%dma_start3A_114, %dma_start3A_115, %dma_start3A_116] : memref<4x50x64xf32, #tpu.memory_space<vmem>> -> memref<1x50x64xf32, #tpu.memory_space<vmem>>
    %dma_start3A_118 = tpu.memref_squeeze %dma_start3A_117 : memref<1x50x64xf32, #tpu.memory_space<vmem>> -> memref<50x64xf32, #tpu.memory_space<vmem>>
    %dma_start3A_119 = arith.constant 616 : i32
    %dma_start3A_120 = tpu.memref_slice %arg5[%dma_start3A_119] : memref<28672xi32, #tpu.memory_space<vmem>> -> memref<50xi32, #tpu.memory_space<vmem>>
    %dma_start3A_121 = arith.constant 0 : i32
    %dma_start3A_122 = arith.constant 0 : i32
    %dma_start3A_123 = tpu.memref_slice %arg3[%dma_start3A_121, %dma_start3A_122] : memref<1000000x64xf32, #tpu.memory_space<hbm>> -> memref<1000000x64xf32, #tpu.memory_space<hbm>>
    tpu.enqueue_indirect_dma source(%dma_start3A_123 : memref<1000000x64xf32, #tpu.memory_space<hbm>>) target(%dma_start3A_118 : memref<50x64xf32, #tpu.memory_space<vmem>>) offsets(%dma_start3A_120 : memref<50xi32, #tpu.memory_space<vmem>>) semaphore(%arg12 : memref<!tpu.dma_semaphore, #tpu.memory_space<semaphore_mem>>)
    %dma_start3A_124 = arith.constant 0 : i32
    %dma_start3A_125 = arith.constant 0 : i32
    %dma_start3A_126 = arith.constant 0 : i32
    %dma_start3A_127 = tpu.memref_slice %arg9[%dma_start3A_124, %dma_start3A_125, %dma_start3A_126] : memref<4x50x64xf32, #tpu.memory_space<vmem>> -> memref<1x50x64xf32, #tpu.memory_space<vmem>>
    %dma_start3A_128 = tpu.memref_squeeze %dma_start3A_127 : memref<1x50x64xf32, #tpu.memory_space<vmem>> -> memref<50x64xf32, #tpu.memory_space<vmem>>
    %dma_start3A_129 = arith.constant 672 : i32
    %dma_start3A_130 = tpu.memref_slice %arg5[%dma_start3A_129] : memref<28672xi32, #tpu.memory_space<vmem>> -> memref<50xi32, #tpu.memory_space<vmem>>
    %dma_start3A_131 = arith.constant 0 : i32
    %dma_start3A_132 = arith.constant 0 : i32
    %dma_start3A_133 = tpu.memref_slice %arg3[%dma_start3A_131, %dma_start3A_132] : memref<1000000x64xf32, #tpu.memory_space<hbm>> -> memref<1000000x64xf32, #tpu.memory_space<hbm>>
    tpu.enqueue_indirect_dma source(%dma_start3A_133 : memref<1000000x64xf32, #tpu.memory_space<hbm>>) target(%dma_start3A_128 : memref<50x64xf32, #tpu.memory_space<vmem>>) offsets(%dma_start3A_130 : memref<50xi32, #tpu.memory_space<vmem>>) semaphore(%arg13 : memref<!tpu.dma_semaphore, #tpu.memory_space<semaphore_mem>>)
    %dma_start3A_134 = arith.constant 1 : i32
    %dma_start3A_135 = arith.constant 0 : i32
    %dma_start3A_136 = arith.constant 0 : i32
    %dma_start3A_137 = tpu.memref_slice %arg9[%dma_start3A_134, %dma_start3A_135, %dma_start3A_136] : memref<4x50x64xf32, #tpu.memory_space<vmem>> -> memref<1x50x64xf32, #tpu.memory_space<vmem>>
    %dma_start3A_138 = tpu.memref_squeeze %dma_start3A_137 : memref<1x50x64xf32, #tpu.memory_space<vmem>> -> memref<50x64xf32, #tpu.memory_space<vmem>>
    %dma_start3A_139 = arith.constant 728 : i32
    %dma_start3A_140 = tpu.memref_slice %arg5[%dma_start3A_139] : memref<28672xi32, #tpu.memory_space<vmem>> -> memref<50xi32, #tpu.memory_space<vmem>>
    %dma_start3A_141 = arith.constant 0 : i32
    %dma_start3A_142 = arith.constant 0 : i32
    %dma_start3A_143 = tpu.memref_slice %arg3[%dma_start3A_141, %dma_start3A_142] : memref<1000000x64xf32, #tpu.memory_space<hbm>> -> memref<1000000x64xf32, #tpu.memory_space<hbm>>
    tpu.enqueue_indirect_dma source(%dma_start3A_143 : memref<1000000x64xf32, #tpu.memory_space<hbm>>) target(%dma_start3A_138 : memref<50x64xf32, #tpu.memory_space<vmem>>) offsets(%dma_start3A_140 : memref<50xi32, #tpu.memory_space<vmem>>) semaphore(%arg13 : memref<!tpu.dma_semaphore, #tpu.memory_space<semaphore_mem>>)
    %dma_start3A_144 = arith.constant 2 : i32
    %dma_start3A_145 = arith.constant 0 : i32
    %dma_start3A_146 = arith.constant 0 : i32
    %dma_start3A_147 = tpu.memref_slice %arg9[%dma_start3A_144, %dma_start3A_145, %dma_start3A_146] : memref<4x50x64xf32, #tpu.memory_space<vmem>> -> memref<1x50x64xf32, #tpu.memory_space<vmem>>
    %dma_start3A_148 = tpu.memref_squeeze %dma_start3A_147 : memref<1x50x64xf32, #tpu.memory_space<vmem>> -> memref<50x64xf32, #tpu.memory_space<vmem>>
    %dma_start3A_149 = arith.constant 784 : i32
    %dma_start3A_150 = tpu.memref_slice %arg5[%dma_start3A_149] : memref<28672xi32, #tpu.memory_space<vmem>> -> memref<50xi32, #tpu.memory_space<vmem>>
    %dma_start3A_151 = arith.constant 0 : i32
    %dma_start3A_152 = arith.constant 0 : i32
    %dma_start3A_153 = tpu.memref_slice %arg3[%dma_start3A_151, %dma_start3A_152] : memref<1000000x64xf32, #tpu.memory_space<hbm>> -> memref<1000000x64xf32, #tpu.memory_space<hbm>>
    tpu.enqueue_indirect_dma source(%dma_start3A_153 : memref<1000000x64xf32, #tpu.memory_space<hbm>>) target(%dma_start3A_148 : memref<50x64xf32, #tpu.memory_space<vmem>>) offsets(%dma_start3A_150 : memref<50xi32, #tpu.memory_space<vmem>>) semaphore(%arg13 : memref<!tpu.dma_semaphore, #tpu.memory_space<semaphore_mem>>)
    %dma_start3A_154 = arith.constant 3 : i32
    %dma_start3A_155 = arith.constant 0 : i32
    %dma_start3A_156 = arith.constant 0 : i32
    %dma_start3A_157 = tpu.memref_slice %arg9[%dma_start3A_154, %dma_start3A_155, %dma_start3A_156] : memref<4x50x64xf32, #tpu.memory_space<vmem>> -> memref<1x50x64xf32, #tpu.memory_space<vmem>>
    %dma_start3A_158 = tpu.memref_squeeze %dma_start3A_157 : memref<1x50x64xf32, #tpu.memory_space<vmem>> -> memref<50x64xf32, #tpu.memory_space<vmem>>
    %dma_start3A_159 = arith.constant 840 : i32
    %dma_start3A_160 = tpu.memref_slice %arg5[%dma_start3A_159] : memref<28672xi32, #tpu.memory_space<vmem>> -> memref<50xi32, #tpu.memory_space<vmem>>
    %dma_start3A_161 = arith.constant 0 : i32
    %dma_start3A_162 = arith.constant 0 : i32
    %dma_start3A_163 = tpu.memref_slice %arg3[%dma_start3A_161, %dma_start3A_162] : memref<1000000x64xf32, #tpu.memory_space<hbm>> -> memref<1000000x64xf32, #tpu.memory_space<hbm>>
    tpu.enqueue_indirect_dma source(%dma_start3A_163 : memref<1000000x64xf32, #tpu.memory_space<hbm>>) target(%dma_start3A_158 : memref<50x64xf32, #tpu.memory_space<vmem>>) offsets(%dma_start3A_160 : memref<50xi32, #tpu.memory_space<vmem>>) semaphore(%arg13 : memref<!tpu.dma_semaphore, #tpu.memory_space<semaphore_mem>>)
    %scan3A = arith.constant 0 : i32
    %scan3A_164 = arith.constant 0 : i32
    %scan3A_165 = arith.constant 32 : i32
    %scan3A_166 = arith.addi %scan3A_164, %scan3A_165 : i32
    %scan3A_167 = arith.constant 1 : i32
    scf.for %scan3A_169 = %scan3A_164 to %scan3A_166 step %scan3A_167  : i32 {
      %mul3A_170 = arith.constant 4 : i32
      %mul3A_171 = arith.muli %scan3A_169, %mul3A_170 : i32
      %add3A_172 = arith.constant 0 : i32
      %add3A_173 = arith.addi %mul3A_171, %add3A_172 : i32
      %dma_wait3A = arith.constant 0 : i32
      %dma_wait3A_174 = arith.constant 0 : i32
      %dma_wait3A_175 = arith.constant 0 : i32
      %dma_wait3A_176 = tpu.memref_slice %arg6[%dma_wait3A, %dma_wait3A_174, %dma_wait3A_175] : memref<4x50x64xf32, #tpu.memory_space<vmem>> -> memref<1x50x64xf32, #tpu.memory_space<vmem>>
      %dma_wait3A_177 = tpu.memref_squeeze %dma_wait3A_176 : memref<1x50x64xf32, #tpu.memory_space<vmem>> -> memref<50x64xf32, #tpu.memory_space<vmem>>
      %dma_wait3A_178 = arith.constant 0 : i32
      %dma_wait3A_179 = tpu.memref_slice %arg5[%dma_wait3A_178] : memref<28672xi32, #tpu.memory_space<vmem>> -> memref<50xi32, #tpu.memory_space<vmem>>
      %dma_wait3A_180 = arith.constant 0 : i32
      %dma_wait3A_181 = arith.constant 0 : i32
      %dma_wait3A_182 = tpu.memref_slice %arg3[%dma_wait3A_180, %dma_wait3A_181] : memref<1000000x64xf32, #tpu.memory_space<hbm>> -> memref<1000000x64xf32, #tpu.memory_space<hbm>>
      tpu.wait_indirect_dma semaphore(%arg10 : memref<!tpu.dma_semaphore, #tpu.memory_space<semaphore_mem>>) src(%dma_wait3A_182 : memref<1000000x64xf32, #tpu.memory_space<hbm>>) dst(%dma_wait3A_177 : memref<50x64xf32, #tpu.memory_space<vmem>>)
      %dma_wait3A_183 = arith.constant 1 : i32
      %dma_wait3A_184 = arith.constant 0 : i32
      %dma_wait3A_185 = arith.constant 0 : i32
      %dma_wait3A_186 = tpu.memref_slice %arg6[%dma_wait3A_183, %dma_wait3A_184, %dma_wait3A_185] : memref<4x50x64xf32, #tpu.memory_space<vmem>> -> memref<1x50x64xf32, #tpu.memory_space<vmem>>
      %dma_wait3A_187 = tpu.memref_squeeze %dma_wait3A_186 : memref<1x50x64xf32, #tpu.memory_space<vmem>> -> memref<50x64xf32, #tpu.memory_space<vmem>>
      %dma_wait3A_188 = arith.constant 0 : i32
      %dma_wait3A_189 = tpu.memref_slice %arg5[%dma_wait3A_188] : memref<28672xi32, #tpu.memory_space<vmem>> -> memref<50xi32, #tpu.memory_space<vmem>>
      %dma_wait3A_190 = arith.constant 0 : i32
      %dma_wait3A_191 = arith.constant 0 : i32
      %dma_wait3A_192 = tpu.memref_slice %arg3[%dma_wait3A_190, %dma_wait3A_191] : memref<1000000x64xf32, #tpu.memory_space<hbm>> -> memref<1000000x64xf32, #tpu.memory_space<hbm>>
      tpu.wait_indirect_dma semaphore(%arg10 : memref<!tpu.dma_semaphore, #tpu.memory_space<semaphore_mem>>) src(%dma_wait3A_192 : memref<1000000x64xf32, #tpu.memory_space<hbm>>) dst(%dma_wait3A_187 : memref<50x64xf32, #tpu.memory_space<vmem>>)
      %dma_wait3A_193 = arith.constant 2 : i32
      %dma_wait3A_194 = arith.constant 0 : i32
      %dma_wait3A_195 = arith.constant 0 : i32
      %dma_wait3A_196 = tpu.memref_slice %arg6[%dma_wait3A_193, %dma_wait3A_194, %dma_wait3A_195] : memref<4x50x64xf32, #tpu.memory_space<vmem>> -> memref<1x50x64xf32, #tpu.memory_space<vmem>>
      %dma_wait3A_197 = tpu.memref_squeeze %dma_wait3A_196 : memref<1x50x64xf32, #tpu.memory_space<vmem>> -> memref<50x64xf32, #tpu.memory_space<vmem>>
      %dma_wait3A_198 = arith.constant 0 : i32
      %dma_wait3A_199 = tpu.memref_slice %arg5[%dma_wait3A_198] : memref<28672xi32, #tpu.memory_space<vmem>> -> memref<50xi32, #tpu.memory_space<vmem>>
      %dma_wait3A_200 = arith.constant 0 : i32
      %dma_wait3A_201 = arith.constant 0 : i32
      %dma_wait3A_202 = tpu.memref_slice %arg3[%dma_wait3A_200, %dma_wait3A_201] : memref<1000000x64xf32, #tpu.memory_space<hbm>> -> memref<1000000x64xf32, #tpu.memory_space<hbm>>
      tpu.wait_indirect_dma semaphore(%arg10 : memref<!tpu.dma_semaphore, #tpu.memory_space<semaphore_mem>>) src(%dma_wait3A_202 : memref<1000000x64xf32, #tpu.memory_space<hbm>>) dst(%dma_wait3A_197 : memref<50x64xf32, #tpu.memory_space<vmem>>)
      %dma_wait3A_203 = arith.constant 3 : i32
      %dma_wait3A_204 = arith.constant 0 : i32
      %dma_wait3A_205 = arith.constant 0 : i32
      %dma_wait3A_206 = tpu.memref_slice %arg6[%dma_wait3A_203, %dma_wait3A_204, %dma_wait3A_205] : memref<4x50x64xf32, #tpu.memory_space<vmem>> -> memref<1x50x64xf32, #tpu.memory_space<vmem>>
      %dma_wait3A_207 = tpu.memref_squeeze %dma_wait3A_206 : memref<1x50x64xf32, #tpu.memory_space<vmem>> -> memref<50x64xf32, #tpu.memory_space<vmem>>
      %dma_wait3A_208 = arith.constant 0 : i32
      %dma_wait3A_209 = tpu.memref_slice %arg5[%dma_wait3A_208] : memref<28672xi32, #tpu.memory_space<vmem>> -> memref<50xi32, #tpu.memory_space<vmem>>
      %dma_wait3A_210 = arith.constant 0 : i32
      %dma_wait3A_211 = arith.constant 0 : i32
      %dma_wait3A_212 = tpu.memref_slice %arg3[%dma_wait3A_210, %dma_wait3A_211] : memref<1000000x64xf32, #tpu.memory_space<hbm>> -> memref<1000000x64xf32, #tpu.memory_space<hbm>>
      tpu.wait_indirect_dma semaphore(%arg10 : memref<!tpu.dma_semaphore, #tpu.memory_space<semaphore_mem>>) src(%dma_wait3A_212 : memref<1000000x64xf32, #tpu.memory_space<hbm>>) dst(%dma_wait3A_207 : memref<50x64xf32, #tpu.memory_space<vmem>>)
      %mul3A_213 = arith.constant 4 : i32
      %mul3A_214 = arith.muli %add3A_173, %mul3A_213 : i32
      %add3A_215 = arith.addi %mul3A_2, %mul3A_214 : i32
      %dma_start3A_216 = arith.constant 0 : i32
      %dma_start3A_217 = arith.constant 0 : i32
      %dma_start3A_218 = tpu.memref_slice %arg4[%add3A_215, %dma_start3A_216, %dma_start3A_217] : memref<16384x50x64xf32, #tpu.memory_space<hbm>> -> memref<4x50x64xf32, #tpu.memory_space<hbm>>
      %dma_start3A_219 = arith.constant 0 : i32
      %dma_start3A_220 = arith.constant 0 : i32
      %dma_start3A_221 = tpu.memref_slice %arg4[%add3A_215, %dma_start3A_219, %dma_start3A_220] : memref<16384x50x64xf32, #tpu.memory_space<hbm>> -> memref<4x50x64xf32, #tpu.memory_space<hbm>>
      tpu.enqueue_dma source(%arg6 : memref<4x50x64xf32, #tpu.memory_space<vmem>>) target(%dma_start3A_221 : memref<4x50x64xf32, #tpu.memory_space<hbm>>) target_semaphore(%arg14 : memref<!tpu.dma_semaphore, #tpu.memory_space<semaphore_mem>>)
      %mul3A_222 = arith.constant 4 : i32
      %mul3A_223 = arith.muli %scan3A_169, %mul3A_222 : i32
      %add3A_224 = arith.constant 1 : i32
      %add3A_225 = arith.addi %mul3A_223, %add3A_224 : i32
      %dma_wait3A_226 = arith.constant 0 : i32
      %dma_wait3A_227 = arith.constant 0 : i32
      %dma_wait3A_228 = arith.constant 0 : i32
      %dma_wait3A_229 = tpu.memref_slice %arg7[%dma_wait3A_226, %dma_wait3A_227, %dma_wait3A_228] : memref<4x50x64xf32, #tpu.memory_space<vmem>> -> memref<1x50x64xf32, #tpu.memory_space<vmem>>
      %dma_wait3A_230 = tpu.memref_squeeze %dma_wait3A_229 : memref<1x50x64xf32, #tpu.memory_space<vmem>> -> memref<50x64xf32, #tpu.memory_space<vmem>>
      %dma_wait3A_231 = arith.constant 0 : i32
      %dma_wait3A_232 = tpu.memref_slice %arg5[%dma_wait3A_231] : memref<28672xi32, #tpu.memory_space<vmem>> -> memref<50xi32, #tpu.memory_space<vmem>>
      %dma_wait3A_233 = arith.constant 0 : i32
      %dma_wait3A_234 = arith.constant 0 : i32
      %dma_wait3A_235 = tpu.memref_slice %arg3[%dma_wait3A_233, %dma_wait3A_234] : memref<1000000x64xf32, #tpu.memory_space<hbm>> -> memref<1000000x64xf32, #tpu.memory_space<hbm>>
      tpu.wait_indirect_dma semaphore(%arg11 : memref<!tpu.dma_semaphore, #tpu.memory_space<semaphore_mem>>) src(%dma_wait3A_235 : memref<1000000x64xf32, #tpu.memory_space<hbm>>) dst(%dma_wait3A_230 : memref<50x64xf32, #tpu.memory_space<vmem>>)
      %dma_wait3A_236 = arith.constant 1 : i32
      %dma_wait3A_237 = arith.constant 0 : i32
      %dma_wait3A_238 = arith.constant 0 : i32
      %dma_wait3A_239 = tpu.memref_slice %arg7[%dma_wait3A_236, %dma_wait3A_237, %dma_wait3A_238] : memref<4x50x64xf32, #tpu.memory_space<vmem>> -> memref<1x50x64xf32, #tpu.memory_space<vmem>>
      %dma_wait3A_240 = tpu.memref_squeeze %dma_wait3A_239 : memref<1x50x64xf32, #tpu.memory_space<vmem>> -> memref<50x64xf32, #tpu.memory_space<vmem>>
      %dma_wait3A_241 = arith.constant 0 : i32
      %dma_wait3A_242 = tpu.memref_slice %arg5[%dma_wait3A_241] : memref<28672xi32, #tpu.memory_space<vmem>> -> memref<50xi32, #tpu.memory_space<vmem>>
      %dma_wait3A_243 = arith.constant 0 : i32
      %dma_wait3A_244 = arith.constant 0 : i32
      %dma_wait3A_245 = tpu.memref_slice %arg3[%dma_wait3A_243, %dma_wait3A_244] : memref<1000000x64xf32, #tpu.memory_space<hbm>> -> memref<1000000x64xf32, #tpu.memory_space<hbm>>
      tpu.wait_indirect_dma semaphore(%arg11 : memref<!tpu.dma_semaphore, #tpu.memory_space<semaphore_mem>>) src(%dma_wait3A_245 : memref<1000000x64xf32, #tpu.memory_space<hbm>>) dst(%dma_wait3A_240 : memref<50x64xf32, #tpu.memory_space<vmem>>)
      %dma_wait3A_246 = arith.constant 2 : i32
      %dma_wait3A_247 = arith.constant 0 : i32
      %dma_wait3A_248 = arith.constant 0 : i32
      %dma_wait3A_249 = tpu.memref_slice %arg7[%dma_wait3A_246, %dma_wait3A_247, %dma_wait3A_248] : memref<4x50x64xf32, #tpu.memory_space<vmem>> -> memref<1x50x64xf32, #tpu.memory_space<vmem>>
      %dma_wait3A_250 = tpu.memref_squeeze %dma_wait3A_249 : memref<1x50x64xf32, #tpu.memory_space<vmem>> -> memref<50x64xf32, #tpu.memory_space<vmem>>
      %dma_wait3A_251 = arith.constant 0 : i32
      %dma_wait3A_252 = tpu.memref_slice %arg5[%dma_wait3A_251] : memref<28672xi32, #tpu.memory_space<vmem>> -> memref<50xi32, #tpu.memory_space<vmem>>
      %dma_wait3A_253 = arith.constant 0 : i32
      %dma_wait3A_254 = arith.constant 0 : i32
      %dma_wait3A_255 = tpu.memref_slice %arg3[%dma_wait3A_253, %dma_wait3A_254] : memref<1000000x64xf32, #tpu.memory_space<hbm>> -> memref<1000000x64xf32, #tpu.memory_space<hbm>>
      tpu.wait_indirect_dma semaphore(%arg11 : memref<!tpu.dma_semaphore, #tpu.memory_space<semaphore_mem>>) src(%dma_wait3A_255 : memref<1000000x64xf32, #tpu.memory_space<hbm>>) dst(%dma_wait3A_250 : memref<50x64xf32, #tpu.memory_space<vmem>>)
      %dma_wait3A_256 = arith.constant 3 : i32
      %dma_wait3A_257 = arith.constant 0 : i32
      %dma_wait3A_258 = arith.constant 0 : i32
      %dma_wait3A_259 = tpu.memref_slice %arg7[%dma_wait3A_256, %dma_wait3A_257, %dma_wait3A_258] : memref<4x50x64xf32, #tpu.memory_space<vmem>> -> memref<1x50x64xf32, #tpu.memory_space<vmem>>
      %dma_wait3A_260 = tpu.memref_squeeze %dma_wait3A_259 : memref<1x50x64xf32, #tpu.memory_space<vmem>> -> memref<50x64xf32, #tpu.memory_space<vmem>>
      %dma_wait3A_261 = arith.constant 0 : i32
      %dma_wait3A_262 = tpu.memref_slice %arg5[%dma_wait3A_261] : memref<28672xi32, #tpu.memory_space<vmem>> -> memref<50xi32, #tpu.memory_space<vmem>>
      %dma_wait3A_263 = arith.constant 0 : i32
      %dma_wait3A_264 = arith.constant 0 : i32
      %dma_wait3A_265 = tpu.memref_slice %arg3[%dma_wait3A_263, %dma_wait3A_264] : memref<1000000x64xf32, #tpu.memory_space<hbm>> -> memref<1000000x64xf32, #tpu.memory_space<hbm>>
      tpu.wait_indirect_dma semaphore(%arg11 : memref<!tpu.dma_semaphore, #tpu.memory_space<semaphore_mem>>) src(%dma_wait3A_265 : memref<1000000x64xf32, #tpu.memory_space<hbm>>) dst(%dma_wait3A_260 : memref<50x64xf32, #tpu.memory_space<vmem>>)
      %mul3A_266 = arith.constant 4 : i32
      %mul3A_267 = arith.muli %add3A_225, %mul3A_266 : i32
      %add3A_268 = arith.addi %mul3A_2, %mul3A_267 : i32
      %dma_start3A_269 = arith.constant 0 : i32
      %dma_start3A_270 = arith.constant 0 : i32
      %dma_start3A_271 = tpu.memref_slice %arg4[%add3A_268, %dma_start3A_269, %dma_start3A_270] : memref<16384x50x64xf32, #tpu.memory_space<hbm>> -> memref<4x50x64xf32, #tpu.memory_space<hbm>>
      %dma_start3A_272 = arith.constant 0 : i32
      %dma_start3A_273 = arith.constant 0 : i32
      %dma_start3A_274 = tpu.memref_slice %arg4[%add3A_268, %dma_start3A_272, %dma_start3A_273] : memref<16384x50x64xf32, #tpu.memory_space<hbm>> -> memref<4x50x64xf32, #tpu.memory_space<hbm>>
      tpu.enqueue_dma source(%arg7 : memref<4x50x64xf32, #tpu.memory_space<vmem>>) target(%dma_start3A_274 : memref<4x50x64xf32, #tpu.memory_space<hbm>>) target_semaphore(%arg15 : memref<!tpu.dma_semaphore, #tpu.memory_space<semaphore_mem>>)
      %mul3A_275 = arith.constant 4 : i32
      %mul3A_276 = arith.muli %scan3A_169, %mul3A_275 : i32
      %add3A_277 = arith.constant 2 : i32
      %add3A_278 = arith.addi %mul3A_276, %add3A_277 : i32
      %dma_wait3A_279 = arith.constant 0 : i32
      %dma_wait3A_280 = arith.constant 0 : i32
      %dma_wait3A_281 = arith.constant 0 : i32
      %dma_wait3A_282 = tpu.memref_slice %arg8[%dma_wait3A_279, %dma_wait3A_280, %dma_wait3A_281] : memref<4x50x64xf32, #tpu.memory_space<vmem>> -> memref<1x50x64xf32, #tpu.memory_space<vmem>>
      %dma_wait3A_283 = tpu.memref_squeeze %dma_wait3A_282 : memref<1x50x64xf32, #tpu.memory_space<vmem>> -> memref<50x64xf32, #tpu.memory_space<vmem>>
      %dma_wait3A_284 = arith.constant 0 : i32
      %dma_wait3A_285 = tpu.memref_slice %arg5[%dma_wait3A_284] : memref<28672xi32, #tpu.memory_space<vmem>> -> memref<50xi32, #tpu.memory_space<vmem>>
      %dma_wait3A_286 = arith.constant 0 : i32
      %dma_wait3A_287 = arith.constant 0 : i32
      %dma_wait3A_288 = tpu.memref_slice %arg3[%dma_wait3A_286, %dma_wait3A_287] : memref<1000000x64xf32, #tpu.memory_space<hbm>> -> memref<1000000x64xf32, #tpu.memory_space<hbm>>
      tpu.wait_indirect_dma semaphore(%arg12 : memref<!tpu.dma_semaphore, #tpu.memory_space<semaphore_mem>>) src(%dma_wait3A_288 : memref<1000000x64xf32, #tpu.memory_space<hbm>>) dst(%dma_wait3A_283 : memref<50x64xf32, #tpu.memory_space<vmem>>)
      %dma_wait3A_289 = arith.constant 1 : i32
      %dma_wait3A_290 = arith.constant 0 : i32
      %dma_wait3A_291 = arith.constant 0 : i32
      %dma_wait3A_292 = tpu.memref_slice %arg8[%dma_wait3A_289, %dma_wait3A_290, %dma_wait3A_291] : memref<4x50x64xf32, #tpu.memory_space<vmem>> -> memref<1x50x64xf32, #tpu.memory_space<vmem>>
      %dma_wait3A_293 = tpu.memref_squeeze %dma_wait3A_292 : memref<1x50x64xf32, #tpu.memory_space<vmem>> -> memref<50x64xf32, #tpu.memory_space<vmem>>
      %dma_wait3A_294 = arith.constant 0 : i32
      %dma_wait3A_295 = tpu.memref_slice %arg5[%dma_wait3A_294] : memref<28672xi32, #tpu.memory_space<vmem>> -> memref<50xi32, #tpu.memory_space<vmem>>
      %dma_wait3A_296 = arith.constant 0 : i32
      %dma_wait3A_297 = arith.constant 0 : i32
      %dma_wait3A_298 = tpu.memref_slice %arg3[%dma_wait3A_296, %dma_wait3A_297] : memref<1000000x64xf32, #tpu.memory_space<hbm>> -> memref<1000000x64xf32, #tpu.memory_space<hbm>>
      tpu.wait_indirect_dma semaphore(%arg12 : memref<!tpu.dma_semaphore, #tpu.memory_space<semaphore_mem>>) src(%dma_wait3A_298 : memref<1000000x64xf32, #tpu.memory_space<hbm>>) dst(%dma_wait3A_293 : memref<50x64xf32, #tpu.memory_space<vmem>>)
      %dma_wait3A_299 = arith.constant 2 : i32
      %dma_wait3A_300 = arith.constant 0 : i32
      %dma_wait3A_301 = arith.constant 0 : i32
      %dma_wait3A_302 = tpu.memref_slice %arg8[%dma_wait3A_299, %dma_wait3A_300, %dma_wait3A_301] : memref<4x50x64xf32, #tpu.memory_space<vmem>> -> memref<1x50x64xf32, #tpu.memory_space<vmem>>
      %dma_wait3A_303 = tpu.memref_squeeze %dma_wait3A_302 : memref<1x50x64xf32, #tpu.memory_space<vmem>> -> memref<50x64xf32, #tpu.memory_space<vmem>>
      %dma_wait3A_304 = arith.constant 0 : i32
      %dma_wait3A_305 = tpu.memref_slice %arg5[%dma_wait3A_304] : memref<28672xi32, #tpu.memory_space<vmem>> -> memref<50xi32, #tpu.memory_space<vmem>>
      %dma_wait3A_306 = arith.constant 0 : i32
      %dma_wait3A_307 = arith.constant 0 : i32
      %dma_wait3A_308 = tpu.memref_slice %arg3[%dma_wait3A_306, %dma_wait3A_307] : memref<1000000x64xf32, #tpu.memory_space<hbm>> -> memref<1000000x64xf32, #tpu.memory_space<hbm>>
      tpu.wait_indirect_dma semaphore(%arg12 : memref<!tpu.dma_semaphore, #tpu.memory_space<semaphore_mem>>) src(%dma_wait3A_308 : memref<1000000x64xf32, #tpu.memory_space<hbm>>) dst(%dma_wait3A_303 : memref<50x64xf32, #tpu.memory_space<vmem>>)
      %dma_wait3A_309 = arith.constant 3 : i32
      %dma_wait3A_310 = arith.constant 0 : i32
      %dma_wait3A_311 = arith.constant 0 : i32
      %dma_wait3A_312 = tpu.memref_slice %arg8[%dma_wait3A_309, %dma_wait3A_310, %dma_wait3A_311] : memref<4x50x64xf32, #tpu.memory_space<vmem>> -> memref<1x50x64xf32, #tpu.memory_space<vmem>>
      %dma_wait3A_313 = tpu.memref_squeeze %dma_wait3A_312 : memref<1x50x64xf32, #tpu.memory_space<vmem>> -> memref<50x64xf32, #tpu.memory_space<vmem>>
      %dma_wait3A_314 = arith.constant 0 : i32
      %dma_wait3A_315 = tpu.memref_slice %arg5[%dma_wait3A_314] : memref<28672xi32, #tpu.memory_space<vmem>> -> memref<50xi32, #tpu.memory_space<vmem>>
      %dma_wait3A_316 = arith.constant 0 : i32
      %dma_wait3A_317 = arith.constant 0 : i32
      %dma_wait3A_318 = tpu.memref_slice %arg3[%dma_wait3A_316, %dma_wait3A_317] : memref<1000000x64xf32, #tpu.memory_space<hbm>> -> memref<1000000x64xf32, #tpu.memory_space<hbm>>
      tpu.wait_indirect_dma semaphore(%arg12 : memref<!tpu.dma_semaphore, #tpu.memory_space<semaphore_mem>>) src(%dma_wait3A_318 : memref<1000000x64xf32, #tpu.memory_space<hbm>>) dst(%dma_wait3A_313 : memref<50x64xf32, #tpu.memory_space<vmem>>)
      %mul3A_319 = arith.constant 4 : i32
      %mul3A_320 = arith.muli %add3A_278, %mul3A_319 : i32
      %add3A_321 = arith.addi %mul3A_2, %mul3A_320 : i32
      %dma_start3A_322 = arith.constant 0 : i32
      %dma_start3A_323 = arith.constant 0 : i32
      %dma_start3A_324 = tpu.memref_slice %arg4[%add3A_321, %dma_start3A_322, %dma_start3A_323] : memref<16384x50x64xf32, #tpu.memory_space<hbm>> -> memref<4x50x64xf32, #tpu.memory_space<hbm>>
      %dma_start3A_325 = arith.constant 0 : i32
      %dma_start3A_326 = arith.constant 0 : i32
      %dma_start3A_327 = tpu.memref_slice %arg4[%add3A_321, %dma_start3A_325, %dma_start3A_326] : memref<16384x50x64xf32, #tpu.memory_space<hbm>> -> memref<4x50x64xf32, #tpu.memory_space<hbm>>
      tpu.enqueue_dma source(%arg8 : memref<4x50x64xf32, #tpu.memory_space<vmem>>) target(%dma_start3A_327 : memref<4x50x64xf32, #tpu.memory_space<hbm>>) target_semaphore(%arg16 : memref<!tpu.dma_semaphore, #tpu.memory_space<semaphore_mem>>)
      %mul3A_328 = arith.constant 4 : i32
      %mul3A_329 = arith.muli %scan3A_169, %mul3A_328 : i32
      %add3A_330 = arith.constant 3 : i32
      %add3A_331 = arith.addi %mul3A_329, %add3A_330 : i32
      %dma_wait3A_332 = arith.constant 0 : i32
      %dma_wait3A_333 = arith.constant 0 : i32
      %dma_wait3A_334 = arith.constant 0 : i32
      %dma_wait3A_335 = tpu.memref_slice %arg9[%dma_wait3A_332, %dma_wait3A_333, %dma_wait3A_334] : memref<4x50x64xf32, #tpu.memory_space<vmem>> -> memref<1x50x64xf32, #tpu.memory_space<vmem>>
      %dma_wait3A_336 = tpu.memref_squeeze %dma_wait3A_335 : memref<1x50x64xf32, #tpu.memory_space<vmem>> -> memref<50x64xf32, #tpu.memory_space<vmem>>
      %dma_wait3A_337 = arith.constant 0 : i32
      %dma_wait3A_338 = tpu.memref_slice %arg5[%dma_wait3A_337] : memref<28672xi32, #tpu.memory_space<vmem>> -> memref<50xi32, #tpu.memory_space<vmem>>
      %dma_wait3A_339 = arith.constant 0 : i32
      %dma_wait3A_340 = arith.constant 0 : i32
      %dma_wait3A_341 = tpu.memref_slice %arg3[%dma_wait3A_339, %dma_wait3A_340] : memref<1000000x64xf32, #tpu.memory_space<hbm>> -> memref<1000000x64xf32, #tpu.memory_space<hbm>>
      tpu.wait_indirect_dma semaphore(%arg13 : memref<!tpu.dma_semaphore, #tpu.memory_space<semaphore_mem>>) src(%dma_wait3A_341 : memref<1000000x64xf32, #tpu.memory_space<hbm>>) dst(%dma_wait3A_336 : memref<50x64xf32, #tpu.memory_space<vmem>>)
      %dma_wait3A_342 = arith.constant 1 : i32
      %dma_wait3A_343 = arith.constant 0 : i32
      %dma_wait3A_344 = arith.constant 0 : i32
      %dma_wait3A_345 = tpu.memref_slice %arg9[%dma_wait3A_342, %dma_wait3A_343, %dma_wait3A_344] : memref<4x50x64xf32, #tpu.memory_space<vmem>> -> memref<1x50x64xf32, #tpu.memory_space<vmem>>
      %dma_wait3A_346 = tpu.memref_squeeze %dma_wait3A_345 : memref<1x50x64xf32, #tpu.memory_space<vmem>> -> memref<50x64xf32, #tpu.memory_space<vmem>>
      %dma_wait3A_347 = arith.constant 0 : i32
      %dma_wait3A_348 = tpu.memref_slice %arg5[%dma_wait3A_347] : memref<28672xi32, #tpu.memory_space<vmem>> -> memref<50xi32, #tpu.memory_space<vmem>>
      %dma_wait3A_349 = arith.constant 0 : i32
      %dma_wait3A_350 = arith.constant 0 : i32
      %dma_wait3A_351 = tpu.memref_slice %arg3[%dma_wait3A_349, %dma_wait3A_350] : memref<1000000x64xf32, #tpu.memory_space<hbm>> -> memref<1000000x64xf32, #tpu.memory_space<hbm>>
      tpu.wait_indirect_dma semaphore(%arg13 : memref<!tpu.dma_semaphore, #tpu.memory_space<semaphore_mem>>) src(%dma_wait3A_351 : memref<1000000x64xf32, #tpu.memory_space<hbm>>) dst(%dma_wait3A_346 : memref<50x64xf32, #tpu.memory_space<vmem>>)
      %dma_wait3A_352 = arith.constant 2 : i32
      %dma_wait3A_353 = arith.constant 0 : i32
      %dma_wait3A_354 = arith.constant 0 : i32
      %dma_wait3A_355 = tpu.memref_slice %arg9[%dma_wait3A_352, %dma_wait3A_353, %dma_wait3A_354] : memref<4x50x64xf32, #tpu.memory_space<vmem>> -> memref<1x50x64xf32, #tpu.memory_space<vmem>>
      %dma_wait3A_356 = tpu.memref_squeeze %dma_wait3A_355 : memref<1x50x64xf32, #tpu.memory_space<vmem>> -> memref<50x64xf32, #tpu.memory_space<vmem>>
      %dma_wait3A_357 = arith.constant 0 : i32
      %dma_wait3A_358 = tpu.memref_slice %arg5[%dma_wait3A_357] : memref<28672xi32, #tpu.memory_space<vmem>> -> memref<50xi32, #tpu.memory_space<vmem>>
      %dma_wait3A_359 = arith.constant 0 : i32
      %dma_wait3A_360 = arith.constant 0 : i32
      %dma_wait3A_361 = tpu.memref_slice %arg3[%dma_wait3A_359, %dma_wait3A_360] : memref<1000000x64xf32, #tpu.memory_space<hbm>> -> memref<1000000x64xf32, #tpu.memory_space<hbm>>
      tpu.wait_indirect_dma semaphore(%arg13 : memref<!tpu.dma_semaphore, #tpu.memory_space<semaphore_mem>>) src(%dma_wait3A_361 : memref<1000000x64xf32, #tpu.memory_space<hbm>>) dst(%dma_wait3A_356 : memref<50x64xf32, #tpu.memory_space<vmem>>)
      %dma_wait3A_362 = arith.constant 3 : i32
      %dma_wait3A_363 = arith.constant 0 : i32
      %dma_wait3A_364 = arith.constant 0 : i32
      %dma_wait3A_365 = tpu.memref_slice %arg9[%dma_wait3A_362, %dma_wait3A_363, %dma_wait3A_364] : memref<4x50x64xf32, #tpu.memory_space<vmem>> -> memref<1x50x64xf32, #tpu.memory_space<vmem>>
      %dma_wait3A_366 = tpu.memref_squeeze %dma_wait3A_365 : memref<1x50x64xf32, #tpu.memory_space<vmem>> -> memref<50x64xf32, #tpu.memory_space<vmem>>
      %dma_wait3A_367 = arith.constant 0 : i32
      %dma_wait3A_368 = tpu.memref_slice %arg5[%dma_wait3A_367] : memref<28672xi32, #tpu.memory_space<vmem>> -> memref<50xi32, #tpu.memory_space<vmem>>
      %dma_wait3A_369 = arith.constant 0 : i32
      %dma_wait3A_370 = arith.constant 0 : i32
      %dma_wait3A_371 = tpu.memref_slice %arg3[%dma_wait3A_369, %dma_wait3A_370] : memref<1000000x64xf32, #tpu.memory_space<hbm>> -> memref<1000000x64xf32, #tpu.memory_space<hbm>>
      tpu.wait_indirect_dma semaphore(%arg13 : memref<!tpu.dma_semaphore, #tpu.memory_space<semaphore_mem>>) src(%dma_wait3A_371 : memref<1000000x64xf32, #tpu.memory_space<hbm>>) dst(%dma_wait3A_366 : memref<50x64xf32, #tpu.memory_space<vmem>>)
      %mul3A_372 = arith.constant 4 : i32
      %mul3A_373 = arith.muli %add3A_331, %mul3A_372 : i32
      %add3A_374 = arith.addi %mul3A_2, %mul3A_373 : i32
      %dma_start3A_375 = arith.constant 0 : i32
      %dma_start3A_376 = arith.constant 0 : i32
      %dma_start3A_377 = tpu.memref_slice %arg4[%add3A_374, %dma_start3A_375, %dma_start3A_376] : memref<16384x50x64xf32, #tpu.memory_space<hbm>> -> memref<4x50x64xf32, #tpu.memory_space<hbm>>
      %dma_start3A_378 = arith.constant 0 : i32
      %dma_start3A_379 = arith.constant 0 : i32
      %dma_start3A_380 = tpu.memref_slice %arg4[%add3A_374, %dma_start3A_378, %dma_start3A_379] : memref<16384x50x64xf32, #tpu.memory_space<hbm>> -> memref<4x50x64xf32, #tpu.memory_space<hbm>>
      tpu.enqueue_dma source(%arg9 : memref<4x50x64xf32, #tpu.memory_space<vmem>>) target(%dma_start3A_380 : memref<4x50x64xf32, #tpu.memory_space<hbm>>) target_semaphore(%arg17 : memref<!tpu.dma_semaphore, #tpu.memory_space<semaphore_mem>>)
      %dma_wait3A_381 = arith.constant 0 : i32
      %dma_wait3A_382 = arith.constant 0 : i32
      %dma_wait3A_383 = arith.constant 0 : i32
      %dma_wait3A_384 = tpu.memref_slice %arg4[%dma_wait3A_381, %dma_wait3A_382, %dma_wait3A_383] : memref<16384x50x64xf32, #tpu.memory_space<hbm>> -> memref<4x50x64xf32, #tpu.memory_space<hbm>>
      %dma_wait3A_385 = arith.constant 0 : i32
      %dma_wait3A_386 = arith.constant 0 : i32
      %dma_wait3A_387 = arith.constant 0 : i32
      %dma_wait3A_388 = tpu.memref_slice %arg4[%dma_wait3A_385, %dma_wait3A_386, %dma_wait3A_387] : memref<16384x50x64xf32, #tpu.memory_space<hbm>> -> memref<4x50x64xf32, #tpu.memory_space<hbm>>
      tpu.wait_dma2 semaphore(%arg14 : memref<!tpu.dma_semaphore, #tpu.memory_space<semaphore_mem>>) src(%arg6 : memref<4x50x64xf32, #tpu.memory_space<vmem>>) dst(%dma_wait3A_388 : memref<4x50x64xf32, #tpu.memory_space<hbm>>)
      %ne3A = arith.constant 31 : i32
      %ne3A_389 = arith.cmpi ne, %scan3A_169, %ne3A : i32
      %add3A_390 = arith.constant 1 : i32
      %add3A_391 = arith.addi %scan3A_169, %add3A_390 : i32
      %mul3A_392 = arith.constant 4 : i32
      %mul3A_393 = arith.muli %add3A_391, %mul3A_392 : i32
      %add3A_394 = arith.constant 0 : i32
      %add3A_395 = arith.addi %mul3A_393, %add3A_394 : i32
      %convert_element_type3A = arith.extui %ne3A_389 : i1 to i32
      %cond3A = arith.constant 0 : i32
      %cond3A_396 = arith.cmpi ne, %convert_element_type3A, %cond3A : i32
      scf.if %cond3A_396 {
        %mul3A_454 = arith.constant 4 : i32
        %mul3A_455 = arith.muli %add3A_395, %mul3A_454 : i32
        %add3A_456 = arith.constant 0 : i32
        %add3A_457 = arith.addi %mul3A_455, %add3A_456 : i32
        %mul3A_458 = arith.constant 56 : i32
        %mul3A_459 = arith.muli %add3A_457, %mul3A_458 : i32
        %dma_start3A_460 = arith.constant 0 : i32
        %dma_start3A_461 = arith.constant 0 : i32
        %dma_start3A_462 = arith.constant 0 : i32
        %dma_start3A_463 = tpu.memref_slice %arg6[%dma_start3A_460, %dma_start3A_461, %dma_start3A_462] : memref<4x50x64xf32, #tpu.memory_space<vmem>> -> memref<1x50x64xf32, #tpu.memory_space<vmem>>
        %dma_start3A_464 = tpu.memref_squeeze %dma_start3A_463 : memref<1x50x64xf32, #tpu.memory_space<vmem>> -> memref<50x64xf32, #tpu.memory_space<vmem>>
        %dma_start3A_465 = tpu.memref_slice %arg5[%mul3A_459] : memref<28672xi32, #tpu.memory_space<vmem>> -> memref<50xi32, #tpu.memory_space<vmem>>
        %dma_start3A_466 = arith.constant 0 : i32
        %dma_start3A_467 = arith.constant 0 : i32
        %dma_start3A_468 = tpu.memref_slice %arg3[%dma_start3A_466, %dma_start3A_467] : memref<1000000x64xf32, #tpu.memory_space<hbm>> -> memref<1000000x64xf32, #tpu.memory_space<hbm>>
        tpu.enqueue_indirect_dma source(%dma_start3A_468 : memref<1000000x64xf32, #tpu.memory_space<hbm>>) target(%dma_start3A_464 : memref<50x64xf32, #tpu.memory_space<vmem>>) offsets(%dma_start3A_465 : memref<50xi32, #tpu.memory_space<vmem>>) semaphore(%arg10 : memref<!tpu.dma_semaphore, #tpu.memory_space<semaphore_mem>>)
        %mul3A_469 = arith.constant 4 : i32
        %mul3A_470 = arith.muli %add3A_395, %mul3A_469 : i32
        %add3A_471 = arith.constant 1 : i32
        %add3A_472 = arith.addi %mul3A_470, %add3A_471 : i32
        %mul3A_473 = arith.constant 56 : i32
        %mul3A_474 = arith.muli %add3A_472, %mul3A_473 : i32
        %dma_start3A_475 = arith.constant 1 : i32
        %dma_start3A_476 = arith.constant 0 : i32
        %dma_start3A_477 = arith.constant 0 : i32
        %dma_start3A_478 = tpu.memref_slice %arg6[%dma_start3A_475, %dma_start3A_476, %dma_start3A_477] : memref<4x50x64xf32, #tpu.memory_space<vmem>> -> memref<1x50x64xf32, #tpu.memory_space<vmem>>
        %dma_start3A_479 = tpu.memref_squeeze %dma_start3A_478 : memref<1x50x64xf32, #tpu.memory_space<vmem>> -> memref<50x64xf32, #tpu.memory_space<vmem>>
        %dma_start3A_480 = tpu.memref_slice %arg5[%mul3A_474] : memref<28672xi32, #tpu.memory_space<vmem>> -> memref<50xi32, #tpu.memory_space<vmem>>
        %dma_start3A_481 = arith.constant 0 : i32
        %dma_start3A_482 = arith.constant 0 : i32
        %dma_start3A_483 = tpu.memref_slice %arg3[%dma_start3A_481, %dma_start3A_482] : memref<1000000x64xf32, #tpu.memory_space<hbm>> -> memref<1000000x64xf32, #tpu.memory_space<hbm>>
        tpu.enqueue_indirect_dma source(%dma_start3A_483 : memref<1000000x64xf32, #tpu.memory_space<hbm>>) target(%dma_start3A_479 : memref<50x64xf32, #tpu.memory_space<vmem>>) offsets(%dma_start3A_480 : memref<50xi32, #tpu.memory_space<vmem>>) semaphore(%arg10 : memref<!tpu.dma_semaphore, #tpu.memory_space<semaphore_mem>>)
        %mul3A_484 = arith.constant 4 : i32
        %mul3A_485 = arith.muli %add3A_395, %mul3A_484 : i32
        %add3A_486 = arith.constant 2 : i32
        %add3A_487 = arith.addi %mul3A_485, %add3A_486 : i32
        %mul3A_488 = arith.constant 56 : i32
        %mul3A_489 = arith.muli %add3A_487, %mul3A_488 : i32
        %dma_start3A_490 = arith.constant 2 : i32
        %dma_start3A_491 = arith.constant 0 : i32
        %dma_start3A_492 = arith.constant 0 : i32
        %dma_start3A_493 = tpu.memref_slice %arg6[%dma_start3A_490, %dma_start3A_491, %dma_start3A_492] : memref<4x50x64xf32, #tpu.memory_space<vmem>> -> memref<1x50x64xf32, #tpu.memory_space<vmem>>
        %dma_start3A_494 = tpu.memref_squeeze %dma_start3A_493 : memref<1x50x64xf32, #tpu.memory_space<vmem>> -> memref<50x64xf32, #tpu.memory_space<vmem>>
        %dma_start3A_495 = tpu.memref_slice %arg5[%mul3A_489] : memref<28672xi32, #tpu.memory_space<vmem>> -> memref<50xi32, #tpu.memory_space<vmem>>
        %dma_start3A_496 = arith.constant 0 : i32
        %dma_start3A_497 = arith.constant 0 : i32
        %dma_start3A_498 = tpu.memref_slice %arg3[%dma_start3A_496, %dma_start3A_497] : memref<1000000x64xf32, #tpu.memory_space<hbm>> -> memref<1000000x64xf32, #tpu.memory_space<hbm>>
        tpu.enqueue_indirect_dma source(%dma_start3A_498 : memref<1000000x64xf32, #tpu.memory_space<hbm>>) target(%dma_start3A_494 : memref<50x64xf32, #tpu.memory_space<vmem>>) offsets(%dma_start3A_495 : memref<50xi32, #tpu.memory_space<vmem>>) semaphore(%arg10 : memref<!tpu.dma_semaphore, #tpu.memory_space<semaphore_mem>>)
        %mul3A_499 = arith.constant 4 : i32
        %mul3A_500 = arith.muli %add3A_395, %mul3A_499 : i32
        %add3A_501 = arith.constant 3 : i32
        %add3A_502 = arith.addi %mul3A_500, %add3A_501 : i32
        %mul3A_503 = arith.constant 56 : i32
        %mul3A_504 = arith.muli %add3A_502, %mul3A_503 : i32
        %dma_start3A_505 = arith.constant 3 : i32
        %dma_start3A_506 = arith.constant 0 : i32
        %dma_start3A_507 = arith.constant 0 : i32
        %dma_start3A_508 = tpu.memref_slice %arg6[%dma_start3A_505, %dma_start3A_506, %dma_start3A_507] : memref<4x50x64xf32, #tpu.memory_space<vmem>> -> memref<1x50x64xf32, #tpu.memory_space<vmem>>
        %dma_start3A_509 = tpu.memref_squeeze %dma_start3A_508 : memref<1x50x64xf32, #tpu.memory_space<vmem>> -> memref<50x64xf32, #tpu.memory_space<vmem>>
        %dma_start3A_510 = tpu.memref_slice %arg5[%mul3A_504] : memref<28672xi32, #tpu.memory_space<vmem>> -> memref<50xi32, #tpu.memory_space<vmem>>
        %dma_start3A_511 = arith.constant 0 : i32
        %dma_start3A_512 = arith.constant 0 : i32
        %dma_start3A_513 = tpu.memref_slice %arg3[%dma_start3A_511, %dma_start3A_512] : memref<1000000x64xf32, #tpu.memory_space<hbm>> -> memref<1000000x64xf32, #tpu.memory_space<hbm>>
        tpu.enqueue_indirect_dma source(%dma_start3A_513 : memref<1000000x64xf32, #tpu.memory_space<hbm>>) target(%dma_start3A_509 : memref<50x64xf32, #tpu.memory_space<vmem>>) offsets(%dma_start3A_510 : memref<50xi32, #tpu.memory_space<vmem>>) semaphore(%arg10 : memref<!tpu.dma_semaphore, #tpu.memory_space<semaphore_mem>>)
      } else {
      }
      %dma_wait3A_397 = arith.constant 0 : i32
      %dma_wait3A_398 = arith.constant 0 : i32
      %dma_wait3A_399 = arith.constant 0 : i32
      %dma_wait3A_400 = tpu.memref_slice %arg4[%dma_wait3A_397, %dma_wait3A_398, %dma_wait3A_399] : memref<16384x50x64xf32, #tpu.memory_space<hbm>> -> memref<4x50x64xf32, #tpu.memory_space<hbm>>
      %dma_wait3A_401 = arith.constant 0 : i32
      %dma_wait3A_402 = arith.constant 0 : i32
      %dma_wait3A_403 = arith.constant 0 : i32
      %dma_wait3A_404 = tpu.memref_slice %arg4[%dma_wait3A_401, %dma_wait3A_402, %dma_wait3A_403] : memref<16384x50x64xf32, #tpu.memory_space<hbm>> -> memref<4x50x64xf32, #tpu.memory_space<hbm>>
      tpu.wait_dma2 semaphore(%arg15 : memref<!tpu.dma_semaphore, #tpu.memory_space<semaphore_mem>>) src(%arg7 : memref<4x50x64xf32, #tpu.memory_space<vmem>>) dst(%dma_wait3A_404 : memref<4x50x64xf32, #tpu.memory_space<hbm>>)
      %ne3A_405 = arith.constant 31 : i32
      %ne3A_406 = arith.cmpi ne, %scan3A_169, %ne3A_405 : i32
      %add3A_407 = arith.constant 1 : i32
      %add3A_408 = arith.addi %scan3A_169, %add3A_407 : i32
      %mul3A_409 = arith.constant 4 : i32
      %mul3A_410 = arith.muli %add3A_408, %mul3A_409 : i32
      %add3A_411 = arith.constant 1 : i32
      %add3A_412 = arith.addi %mul3A_410, %add3A_411 : i32
      %convert_element_type3A_413 = arith.extui %ne3A_406 : i1 to i32
      %cond3A_414 = arith.constant 0 : i32
      %cond3A_415 = arith.cmpi ne, %convert_element_type3A_413, %cond3A_414 : i32
      scf.if %cond3A_415 {
        %mul3A_454 = arith.constant 4 : i32
        %mul3A_455 = arith.muli %add3A_412, %mul3A_454 : i32
        %add3A_456 = arith.constant 0 : i32
        %add3A_457 = arith.addi %mul3A_455, %add3A_456 : i32
        %mul3A_458 = arith.constant 56 : i32
        %mul3A_459 = arith.muli %add3A_457, %mul3A_458 : i32
        %dma_start3A_460 = arith.constant 0 : i32
        %dma_start3A_461 = arith.constant 0 : i32
        %dma_start3A_462 = arith.constant 0 : i32
        %dma_start3A_463 = tpu.memref_slice %arg7[%dma_start3A_460, %dma_start3A_461, %dma_start3A_462] : memref<4x50x64xf32, #tpu.memory_space<vmem>> -> memref<1x50x64xf32, #tpu.memory_space<vmem>>
        %dma_start3A_464 = tpu.memref_squeeze %dma_start3A_463 : memref<1x50x64xf32, #tpu.memory_space<vmem>> -> memref<50x64xf32, #tpu.memory_space<vmem>>
        %dma_start3A_465 = tpu.memref_slice %arg5[%mul3A_459] : memref<28672xi32, #tpu.memory_space<vmem>> -> memref<50xi32, #tpu.memory_space<vmem>>
        %dma_start3A_466 = arith.constant 0 : i32
        %dma_start3A_467 = arith.constant 0 : i32
        %dma_start3A_468 = tpu.memref_slice %arg3[%dma_start3A_466, %dma_start3A_467] : memref<1000000x64xf32, #tpu.memory_space<hbm>> -> memref<1000000x64xf32, #tpu.memory_space<hbm>>
        tpu.enqueue_indirect_dma source(%dma_start3A_468 : memref<1000000x64xf32, #tpu.memory_space<hbm>>) target(%dma_start3A_464 : memref<50x64xf32, #tpu.memory_space<vmem>>) offsets(%dma_start3A_465 : memref<50xi32, #tpu.memory_space<vmem>>) semaphore(%arg11 : memref<!tpu.dma_semaphore, #tpu.memory_space<semaphore_mem>>)
        %mul3A_469 = arith.constant 4 : i32
        %mul3A_470 = arith.muli %add3A_412, %mul3A_469 : i32
        %add3A_471 = arith.constant 1 : i32
        %add3A_472 = arith.addi %mul3A_470, %add3A_471 : i32
        %mul3A_473 = arith.constant 56 : i32
        %mul3A_474 = arith.muli %add3A_472, %mul3A_473 : i32
        %dma_start3A_475 = arith.constant 1 : i32
        %dma_start3A_476 = arith.constant 0 : i32
        %dma_start3A_477 = arith.constant 0 : i32
        %dma_start3A_478 = tpu.memref_slice %arg7[%dma_start3A_475, %dma_start3A_476, %dma_start3A_477] : memref<4x50x64xf32, #tpu.memory_space<vmem>> -> memref<1x50x64xf32, #tpu.memory_space<vmem>>
        %dma_start3A_479 = tpu.memref_squeeze %dma_start3A_478 : memref<1x50x64xf32, #tpu.memory_space<vmem>> -> memref<50x64xf32, #tpu.memory_space<vmem>>
        %dma_start3A_480 = tpu.memref_slice %arg5[%mul3A_474] : memref<28672xi32, #tpu.memory_space<vmem>> -> memref<50xi32, #tpu.memory_space<vmem>>
        %dma_start3A_481 = arith.constant 0 : i32
        %dma_start3A_482 = arith.constant 0 : i32
        %dma_start3A_483 = tpu.memref_slice %arg3[%dma_start3A_481, %dma_start3A_482] : memref<1000000x64xf32, #tpu.memory_space<hbm>> -> memref<1000000x64xf32, #tpu.memory_space<hbm>>
        tpu.enqueue_indirect_dma source(%dma_start3A_483 : memref<1000000x64xf32, #tpu.memory_space<hbm>>) target(%dma_start3A_479 : memref<50x64xf32, #tpu.memory_space<vmem>>) offsets(%dma_start3A_480 : memref<50xi32, #tpu.memory_space<vmem>>) semaphore(%arg11 : memref<!tpu.dma_semaphore, #tpu.memory_space<semaphore_mem>>)
        %mul3A_484 = arith.constant 4 : i32
        %mul3A_485 = arith.muli %add3A_412, %mul3A_484 : i32
        %add3A_486 = arith.constant 2 : i32
        %add3A_487 = arith.addi %mul3A_485, %add3A_486 : i32
        %mul3A_488 = arith.constant 56 : i32
        %mul3A_489 = arith.muli %add3A_487, %mul3A_488 : i32
        %dma_start3A_490 = arith.constant 2 : i32
        %dma_start3A_491 = arith.constant 0 : i32
        %dma_start3A_492 = arith.constant 0 : i32
        %dma_start3A_493 = tpu.memref_slice %arg7[%dma_start3A_490, %dma_start3A_491, %dma_start3A_492] : memref<4x50x64xf32, #tpu.memory_space<vmem>> -> memref<1x50x64xf32, #tpu.memory_space<vmem>>
        %dma_start3A_494 = tpu.memref_squeeze %dma_start3A_493 : memref<1x50x64xf32, #tpu.memory_space<vmem>> -> memref<50x64xf32, #tpu.memory_space<vmem>>
        %dma_start3A_495 = tpu.memref_slice %arg5[%mul3A_489] : memref<28672xi32, #tpu.memory_space<vmem>> -> memref<50xi32, #tpu.memory_space<vmem>>
        %dma_start3A_496 = arith.constant 0 : i32
        %dma_start3A_497 = arith.constant 0 : i32
        %dma_start3A_498 = tpu.memref_slice %arg3[%dma_start3A_496, %dma_start3A_497] : memref<1000000x64xf32, #tpu.memory_space<hbm>> -> memref<1000000x64xf32, #tpu.memory_space<hbm>>
        tpu.enqueue_indirect_dma source(%dma_start3A_498 : memref<1000000x64xf32, #tpu.memory_space<hbm>>) target(%dma_start3A_494 : memref<50x64xf32, #tpu.memory_space<vmem>>) offsets(%dma_start3A_495 : memref<50xi32, #tpu.memory_space<vmem>>) semaphore(%arg11 : memref<!tpu.dma_semaphore, #tpu.memory_space<semaphore_mem>>)
        %mul3A_499 = arith.constant 4 : i32
        %mul3A_500 = arith.muli %add3A_412, %mul3A_499 : i32
        %add3A_501 = arith.constant 3 : i32
        %add3A_502 = arith.addi %mul3A_500, %add3A_501 : i32
        %mul3A_503 = arith.constant 56 : i32
        %mul3A_504 = arith.muli %add3A_502, %mul3A_503 : i32
        %dma_start3A_505 = arith.constant 3 : i32
        %dma_start3A_506 = arith.constant 0 : i32
        %dma_start3A_507 = arith.constant 0 : i32
        %dma_start3A_508 = tpu.memref_slice %arg7[%dma_start3A_505, %dma_start3A_506, %dma_start3A_507] : memref<4x50x64xf32, #tpu.memory_space<vmem>> -> memref<1x50x64xf32, #tpu.memory_space<vmem>>
        %dma_start3A_509 = tpu.memref_squeeze %dma_start3A_508 : memref<1x50x64xf32, #tpu.memory_space<vmem>> -> memref<50x64xf32, #tpu.memory_space<vmem>>
        %dma_start3A_510 = tpu.memref_slice %arg5[%mul3A_504] : memref<28672xi32, #tpu.memory_space<vmem>> -> memref<50xi32, #tpu.memory_space<vmem>>
        %dma_start3A_511 = arith.constant 0 : i32
        %dma_start3A_512 = arith.constant 0 : i32
        %dma_start3A_513 = tpu.memref_slice %arg3[%dma_start3A_511, %dma_start3A_512] : memref<1000000x64xf32, #tpu.memory_space<hbm>> -> memref<1000000x64xf32, #tpu.memory_space<hbm>>
        tpu.enqueue_indirect_dma source(%dma_start3A_513 : memref<1000000x64xf32, #tpu.memory_space<hbm>>) target(%dma_start3A_509 : memref<50x64xf32, #tpu.memory_space<vmem>>) offsets(%dma_start3A_510 : memref<50xi32, #tpu.memory_space<vmem>>) semaphore(%arg11 : memref<!tpu.dma_semaphore, #tpu.memory_space<semaphore_mem>>)
      } else {
      }
      %dma_wait3A_416 = arith.constant 0 : i32
      %dma_wait3A_417 = arith.constant 0 : i32
      %dma_wait3A_418 = arith.constant 0 : i32
      %dma_wait3A_419 = tpu.memref_slice %arg4[%dma_wait3A_416, %dma_wait3A_417, %dma_wait3A_418] : memref<16384x50x64xf32, #tpu.memory_space<hbm>> -> memref<4x50x64xf32, #tpu.memory_space<hbm>>
      %dma_wait3A_420 = arith.constant 0 : i32
      %dma_wait3A_421 = arith.constant 0 : i32
      %dma_wait3A_422 = arith.constant 0 : i32
      %dma_wait3A_423 = tpu.memref_slice %arg4[%dma_wait3A_420, %dma_wait3A_421, %dma_wait3A_422] : memref<16384x50x64xf32, #tpu.memory_space<hbm>> -> memref<4x50x64xf32, #tpu.memory_space<hbm>>
      tpu.wait_dma2 semaphore(%arg16 : memref<!tpu.dma_semaphore, #tpu.memory_space<semaphore_mem>>) src(%arg8 : memref<4x50x64xf32, #tpu.memory_space<vmem>>) dst(%dma_wait3A_423 : memref<4x50x64xf32, #tpu.memory_space<hbm>>)
      %ne3A_424 = arith.constant 31 : i32
      %ne3A_425 = arith.cmpi ne, %scan3A_169, %ne3A_424 : i32
      %add3A_426 = arith.constant 1 : i32
      %add3A_427 = arith.addi %scan3A_169, %add3A_426 : i32
      %mul3A_428 = arith.constant 4 : i32
      %mul3A_429 = arith.muli %add3A_427, %mul3A_428 : i32
      %add3A_430 = arith.constant 2 : i32
      %add3A_431 = arith.addi %mul3A_429, %add3A_430 : i32
      %convert_element_type3A_432 = arith.extui %ne3A_425 : i1 to i32
      %cond3A_433 = arith.constant 0 : i32
      %cond3A_434 = arith.cmpi ne, %convert_element_type3A_432, %cond3A_433 : i32
      scf.if %cond3A_434 {
        %mul3A_454 = arith.constant 4 : i32
        %mul3A_455 = arith.muli %add3A_431, %mul3A_454 : i32
        %add3A_456 = arith.constant 0 : i32
        %add3A_457 = arith.addi %mul3A_455, %add3A_456 : i32
        %mul3A_458 = arith.constant 56 : i32
        %mul3A_459 = arith.muli %add3A_457, %mul3A_458 : i32
        %dma_start3A_460 = arith.constant 0 : i32
        %dma_start3A_461 = arith.constant 0 : i32
        %dma_start3A_462 = arith.constant 0 : i32
        %dma_start3A_463 = tpu.memref_slice %arg8[%dma_start3A_460, %dma_start3A_461, %dma_start3A_462] : memref<4x50x64xf32, #tpu.memory_space<vmem>> -> memref<1x50x64xf32, #tpu.memory_space<vmem>>
        %dma_start3A_464 = tpu.memref_squeeze %dma_start3A_463 : memref<1x50x64xf32, #tpu.memory_space<vmem>> -> memref<50x64xf32, #tpu.memory_space<vmem>>
        %dma_start3A_465 = tpu.memref_slice %arg5[%mul3A_459] : memref<28672xi32, #tpu.memory_space<vmem>> -> memref<50xi32, #tpu.memory_space<vmem>>
        %dma_start3A_466 = arith.constant 0 : i32
        %dma_start3A_467 = arith.constant 0 : i32
        %dma_start3A_468 = tpu.memref_slice %arg3[%dma_start3A_466, %dma_start3A_467] : memref<1000000x64xf32, #tpu.memory_space<hbm>> -> memref<1000000x64xf32, #tpu.memory_space<hbm>>
        tpu.enqueue_indirect_dma source(%dma_start3A_468 : memref<1000000x64xf32, #tpu.memory_space<hbm>>) target(%dma_start3A_464 : memref<50x64xf32, #tpu.memory_space<vmem>>) offsets(%dma_start3A_465 : memref<50xi32, #tpu.memory_space<vmem>>) semaphore(%arg12 : memref<!tpu.dma_semaphore, #tpu.memory_space<semaphore_mem>>)
        %mul3A_469 = arith.constant 4 : i32
        %mul3A_470 = arith.muli %add3A_431, %mul3A_469 : i32
        %add3A_471 = arith.constant 1 : i32
        %add3A_472 = arith.addi %mul3A_470, %add3A_471 : i32
        %mul3A_473 = arith.constant 56 : i32
        %mul3A_474 = arith.muli %add3A_472, %mul3A_473 : i32
        %dma_start3A_475 = arith.constant 1 : i32
        %dma_start3A_476 = arith.constant 0 : i32
        %dma_start3A_477 = arith.constant 0 : i32
        %dma_start3A_478 = tpu.memref_slice %arg8[%dma_start3A_475, %dma_start3A_476, %dma_start3A_477] : memref<4x50x64xf32, #tpu.memory_space<vmem>> -> memref<1x50x64xf32, #tpu.memory_space<vmem>>
        %dma_start3A_479 = tpu.memref_squeeze %dma_start3A_478 : memref<1x50x64xf32, #tpu.memory_space<vmem>> -> memref<50x64xf32, #tpu.memory_space<vmem>>
        %dma_start3A_480 = tpu.memref_slice %arg5[%mul3A_474] : memref<28672xi32, #tpu.memory_space<vmem>> -> memref<50xi32, #tpu.memory_space<vmem>>
        %dma_start3A_481 = arith.constant 0 : i32
        %dma_start3A_482 = arith.constant 0 : i32
        %dma_start3A_483 = tpu.memref_slice %arg3[%dma_start3A_481, %dma_start3A_482] : memref<1000000x64xf32, #tpu.memory_space<hbm>> -> memref<1000000x64xf32, #tpu.memory_space<hbm>>
        tpu.enqueue_indirect_dma source(%dma_start3A_483 : memref<1000000x64xf32, #tpu.memory_space<hbm>>) target(%dma_start3A_479 : memref<50x64xf32, #tpu.memory_space<vmem>>) offsets(%dma_start3A_480 : memref<50xi32, #tpu.memory_space<vmem>>) semaphore(%arg12 : memref<!tpu.dma_semaphore, #tpu.memory_space<semaphore_mem>>)
        %mul3A_484 = arith.constant 4 : i32
        %mul3A_485 = arith.muli %add3A_431, %mul3A_484 : i32
        %add3A_486 = arith.constant 2 : i32
        %add3A_487 = arith.addi %mul3A_485, %add3A_486 : i32
        %mul3A_488 = arith.constant 56 : i32
        %mul3A_489 = arith.muli %add3A_487, %mul3A_488 : i32
        %dma_start3A_490 = arith.constant 2 : i32
        %dma_start3A_491 = arith.constant 0 : i32
        %dma_start3A_492 = arith.constant 0 : i32
        %dma_start3A_493 = tpu.memref_slice %arg8[%dma_start3A_490, %dma_start3A_491, %dma_start3A_492] : memref<4x50x64xf32, #tpu.memory_space<vmem>> -> memref<1x50x64xf32, #tpu.memory_space<vmem>>
        %dma_start3A_494 = tpu.memref_squeeze %dma_start3A_493 : memref<1x50x64xf32, #tpu.memory_space<vmem>> -> memref<50x64xf32, #tpu.memory_space<vmem>>
        %dma_start3A_495 = tpu.memref_slice %arg5[%mul3A_489] : memref<28672xi32, #tpu.memory_space<vmem>> -> memref<50xi32, #tpu.memory_space<vmem>>
        %dma_start3A_496 = arith.constant 0 : i32
        %dma_start3A_497 = arith.constant 0 : i32
        %dma_start3A_498 = tpu.memref_slice %arg3[%dma_start3A_496, %dma_start3A_497] : memref<1000000x64xf32, #tpu.memory_space<hbm>> -> memref<1000000x64xf32, #tpu.memory_space<hbm>>
        tpu.enqueue_indirect_dma source(%dma_start3A_498 : memref<1000000x64xf32, #tpu.memory_space<hbm>>) target(%dma_start3A_494 : memref<50x64xf32, #tpu.memory_space<vmem>>) offsets(%dma_start3A_495 : memref<50xi32, #tpu.memory_space<vmem>>) semaphore(%arg12 : memref<!tpu.dma_semaphore, #tpu.memory_space<semaphore_mem>>)
        %mul3A_499 = arith.constant 4 : i32
        %mul3A_500 = arith.muli %add3A_431, %mul3A_499 : i32
        %add3A_501 = arith.constant 3 : i32
        %add3A_502 = arith.addi %mul3A_500, %add3A_501 : i32
        %mul3A_503 = arith.constant 56 : i32
        %mul3A_504 = arith.muli %add3A_502, %mul3A_503 : i32
        %dma_start3A_505 = arith.constant 3 : i32
        %dma_start3A_506 = arith.constant 0 : i32
        %dma_start3A_507 = arith.constant 0 : i32
        %dma_start3A_508 = tpu.memref_slice %arg8[%dma_start3A_505, %dma_start3A_506, %dma_start3A_507] : memref<4x50x64xf32, #tpu.memory_space<vmem>> -> memref<1x50x64xf32, #tpu.memory_space<vmem>>
        %dma_start3A_509 = tpu.memref_squeeze %dma_start3A_508 : memref<1x50x64xf32, #tpu.memory_space<vmem>> -> memref<50x64xf32, #tpu.memory_space<vmem>>
        %dma_start3A_510 = tpu.memref_slice %arg5[%mul3A_504] : memref<28672xi32, #tpu.memory_space<vmem>> -> memref<50xi32, #tpu.memory_space<vmem>>
        %dma_start3A_511 = arith.constant 0 : i32
        %dma_start3A_512 = arith.constant 0 : i32
        %dma_start3A_513 = tpu.memref_slice %arg3[%dma_start3A_511, %dma_start3A_512] : memref<1000000x64xf32, #tpu.memory_space<hbm>> -> memref<1000000x64xf32, #tpu.memory_space<hbm>>
        tpu.enqueue_indirect_dma source(%dma_start3A_513 : memref<1000000x64xf32, #tpu.memory_space<hbm>>) target(%dma_start3A_509 : memref<50x64xf32, #tpu.memory_space<vmem>>) offsets(%dma_start3A_510 : memref<50xi32, #tpu.memory_space<vmem>>) semaphore(%arg12 : memref<!tpu.dma_semaphore, #tpu.memory_space<semaphore_mem>>)
      } else {
      }
      %dma_wait3A_435 = arith.constant 0 : i32
      %dma_wait3A_436 = arith.constant 0 : i32
      %dma_wait3A_437 = arith.constant 0 : i32
      %dma_wait3A_438 = tpu.memref_slice %arg4[%dma_wait3A_435, %dma_wait3A_436, %dma_wait3A_437] : memref<16384x50x64xf32, #tpu.memory_space<hbm>> -> memref<4x50x64xf32, #tpu.memory_space<hbm>>
      %dma_wait3A_439 = arith.constant 0 : i32
      %dma_wait3A_440 = arith.constant 0 : i32
      %dma_wait3A_441 = arith.constant 0 : i32
      %dma_wait3A_442 = tpu.memref_slice %arg4[%dma_wait3A_439, %dma_wait3A_440, %dma_wait3A_441] : memref<16384x50x64xf32, #tpu.memory_space<hbm>> -> memref<4x50x64xf32, #tpu.memory_space<hbm>>
      tpu.wait_dma2 semaphore(%arg17 : memref<!tpu.dma_semaphore, #tpu.memory_space<semaphore_mem>>) src(%arg9 : memref<4x50x64xf32, #tpu.memory_space<vmem>>) dst(%dma_wait3A_442 : memref<4x50x64xf32, #tpu.memory_space<hbm>>)
      %ne3A_443 = arith.constant 31 : i32
      %ne3A_444 = arith.cmpi ne, %scan3A_169, %ne3A_443 : i32
      %add3A_445 = arith.constant 1 : i32
      %add3A_446 = arith.addi %scan3A_169, %add3A_445 : i32
      %mul3A_447 = arith.constant 4 : i32
      %mul3A_448 = arith.muli %add3A_446, %mul3A_447 : i32
      %add3A_449 = arith.constant 3 : i32
      %add3A_450 = arith.addi %mul3A_448, %add3A_449 : i32
      %convert_element_type3A_451 = arith.extui %ne3A_444 : i1 to i32
      %cond3A_452 = arith.constant 0 : i32
      %cond3A_453 = arith.cmpi ne, %convert_element_type3A_451, %cond3A_452 : i32
      scf.if %cond3A_453 {
        %mul3A_454 = arith.constant 4 : i32
        %mul3A_455 = arith.muli %add3A_450, %mul3A_454 : i32
        %add3A_456 = arith.constant 0 : i32
        %add3A_457 = arith.addi %mul3A_455, %add3A_456 : i32
        %mul3A_458 = arith.constant 56 : i32
        %mul3A_459 = arith.muli %add3A_457, %mul3A_458 : i32
        %dma_start3A_460 = arith.constant 0 : i32
        %dma_start3A_461 = arith.constant 0 : i32
        %dma_start3A_462 = arith.constant 0 : i32
        %dma_start3A_463 = tpu.memref_slice %arg9[%dma_start3A_460, %dma_start3A_461, %dma_start3A_462] : memref<4x50x64xf32, #tpu.memory_space<vmem>> -> memref<1x50x64xf32, #tpu.memory_space<vmem>>
        %dma_start3A_464 = tpu.memref_squeeze %dma_start3A_463 : memref<1x50x64xf32, #tpu.memory_space<vmem>> -> memref<50x64xf32, #tpu.memory_space<vmem>>
        %dma_start3A_465 = tpu.memref_slice %arg5[%mul3A_459] : memref<28672xi32, #tpu.memory_space<vmem>> -> memref<50xi32, #tpu.memory_space<vmem>>
        %dma_start3A_466 = arith.constant 0 : i32
        %dma_start3A_467 = arith.constant 0 : i32
        %dma_start3A_468 = tpu.memref_slice %arg3[%dma_start3A_466, %dma_start3A_467] : memref<1000000x64xf32, #tpu.memory_space<hbm>> -> memref<1000000x64xf32, #tpu.memory_space<hbm>>
        tpu.enqueue_indirect_dma source(%dma_start3A_468 : memref<1000000x64xf32, #tpu.memory_space<hbm>>) target(%dma_start3A_464 : memref<50x64xf32, #tpu.memory_space<vmem>>) offsets(%dma_start3A_465 : memref<50xi32, #tpu.memory_space<vmem>>) semaphore(%arg13 : memref<!tpu.dma_semaphore, #tpu.memory_space<semaphore_mem>>)
        %mul3A_469 = arith.constant 4 : i32
        %mul3A_470 = arith.muli %add3A_450, %mul3A_469 : i32
        %add3A_471 = arith.constant 1 : i32
        %add3A_472 = arith.addi %mul3A_470, %add3A_471 : i32
        %mul3A_473 = arith.constant 56 : i32
        %mul3A_474 = arith.muli %add3A_472, %mul3A_473 : i32
        %dma_start3A_475 = arith.constant 1 : i32
        %dma_start3A_476 = arith.constant 0 : i32
        %dma_start3A_477 = arith.constant 0 : i32
        %dma_start3A_478 = tpu.memref_slice %arg9[%dma_start3A_475, %dma_start3A_476, %dma_start3A_477] : memref<4x50x64xf32, #tpu.memory_space<vmem>> -> memref<1x50x64xf32, #tpu.memory_space<vmem>>
        %dma_start3A_479 = tpu.memref_squeeze %dma_start3A_478 : memref<1x50x64xf32, #tpu.memory_space<vmem>> -> memref<50x64xf32, #tpu.memory_space<vmem>>
        %dma_start3A_480 = tpu.memref_slice %arg5[%mul3A_474] : memref<28672xi32, #tpu.memory_space<vmem>> -> memref<50xi32, #tpu.memory_space<vmem>>
        %dma_start3A_481 = arith.constant 0 : i32
        %dma_start3A_482 = arith.constant 0 : i32
        %dma_start3A_483 = tpu.memref_slice %arg3[%dma_start3A_481, %dma_start3A_482] : memref<1000000x64xf32, #tpu.memory_space<hbm>> -> memref<1000000x64xf32, #tpu.memory_space<hbm>>
        tpu.enqueue_indirect_dma source(%dma_start3A_483 : memref<1000000x64xf32, #tpu.memory_space<hbm>>) target(%dma_start3A_479 : memref<50x64xf32, #tpu.memory_space<vmem>>) offsets(%dma_start3A_480 : memref<50xi32, #tpu.memory_space<vmem>>) semaphore(%arg13 : memref<!tpu.dma_semaphore, #tpu.memory_space<semaphore_mem>>)
        %mul3A_484 = arith.constant 4 : i32
        %mul3A_485 = arith.muli %add3A_450, %mul3A_484 : i32
        %add3A_486 = arith.constant 2 : i32
        %add3A_487 = arith.addi %mul3A_485, %add3A_486 : i32
        %mul3A_488 = arith.constant 56 : i32
        %mul3A_489 = arith.muli %add3A_487, %mul3A_488 : i32
        %dma_start3A_490 = arith.constant 2 : i32
        %dma_start3A_491 = arith.constant 0 : i32
        %dma_start3A_492 = arith.constant 0 : i32
        %dma_start3A_493 = tpu.memref_slice %arg9[%dma_start3A_490, %dma_start3A_491, %dma_start3A_492] : memref<4x50x64xf32, #tpu.memory_space<vmem>> -> memref<1x50x64xf32, #tpu.memory_space<vmem>>
        %dma_start3A_494 = tpu.memref_squeeze %dma_start3A_493 : memref<1x50x64xf32, #tpu.memory_space<vmem>> -> memref<50x64xf32, #tpu.memory_space<vmem>>
        %dma_start3A_495 = tpu.memref_slice %arg5[%mul3A_489] : memref<28672xi32, #tpu.memory_space<vmem>> -> memref<50xi32, #tpu.memory_space<vmem>>
        %dma_start3A_496 = arith.constant 0 : i32
        %dma_start3A_497 = arith.constant 0 : i32
        %dma_start3A_498 = tpu.memref_slice %arg3[%dma_start3A_496, %dma_start3A_497] : memref<1000000x64xf32, #tpu.memory_space<hbm>> -> memref<1000000x64xf32, #tpu.memory_space<hbm>>
        tpu.enqueue_indirect_dma source(%dma_start3A_498 : memref<1000000x64xf32, #tpu.memory_space<hbm>>) target(%dma_start3A_494 : memref<50x64xf32, #tpu.memory_space<vmem>>) offsets(%dma_start3A_495 : memref<50xi32, #tpu.memory_space<vmem>>) semaphore(%arg13 : memref<!tpu.dma_semaphore, #tpu.memory_space<semaphore_mem>>)
        %mul3A_499 = arith.constant 4 : i32
        %mul3A_500 = arith.muli %add3A_450, %mul3A_499 : i32
        %add3A_501 = arith.constant 3 : i32
        %add3A_502 = arith.addi %mul3A_500, %add3A_501 : i32
        %mul3A_503 = arith.constant 56 : i32
        %mul3A_504 = arith.muli %add3A_502, %mul3A_503 : i32
        %dma_start3A_505 = arith.constant 3 : i32
        %dma_start3A_506 = arith.constant 0 : i32
        %dma_start3A_507 = arith.constant 0 : i32
        %dma_start3A_508 = tpu.memref_slice %arg9[%dma_start3A_505, %dma_start3A_506, %dma_start3A_507] : memref<4x50x64xf32, #tpu.memory_space<vmem>> -> memref<1x50x64xf32, #tpu.memory_space<vmem>>
        %dma_start3A_509 = tpu.memref_squeeze %dma_start3A_508 : memref<1x50x64xf32, #tpu.memory_space<vmem>> -> memref<50x64xf32, #tpu.memory_space<vmem>>
        %dma_start3A_510 = tpu.memref_slice %arg5[%mul3A_504] : memref<28672xi32, #tpu.memory_space<vmem>> -> memref<50xi32, #tpu.memory_space<vmem>>
        %dma_start3A_511 = arith.constant 0 : i32
        %dma_start3A_512 = arith.constant 0 : i32
        %dma_start3A_513 = tpu.memref_slice %arg3[%dma_start3A_511, %dma_start3A_512] : memref<1000000x64xf32, #tpu.memory_space<hbm>> -> memref<1000000x64xf32, #tpu.memory_space<hbm>>
        tpu.enqueue_indirect_dma source(%dma_start3A_513 : memref<1000000x64xf32, #tpu.memory_space<hbm>>) target(%dma_start3A_509 : memref<50x64xf32, #tpu.memory_space<vmem>>) offsets(%dma_start3A_510 : memref<50xi32, #tpu.memory_space<vmem>>) semaphore(%arg13 : memref<!tpu.dma_semaphore, #tpu.memory_space<semaphore_mem>>)
      } else {
      }
    }
    %scan3A_168 = arith.constant 32 : i32
    return
  }
}

</mosaic_0001>

<sc_bundles>
// kernel: kernel.3.cloned.1.call-start
scs
__scs_entry_jumppad:
0x0: {  	(pc) =	sbr.rel $0x88, $3  }
0x1: {  	(tag) =	ssettag $0x0;
	lr =	simm.s32 $0x1  }
0x2: {  	[smem:$0x3F9F] =	sst lr;
	_ =	strace $0xD0000000  }
0x3: {  	_ = 	snop  }
0x4: {  	_ = 	snop  }
0x5: {  	_ = 	snop  }
0x6: {  	_ = 	snop  }
0x7: {  	_ = 	snop  }
__scs_overlays_trampoline_lowered:
0x8: {  	[smem:$0x3FAE] =	sst s0  }
0x9: {  	[smem:$0x3FAF] =	sst s1  }
0xa: {  	[smem:$0x3FB0] =	sst s2  }
0xb: {  	[smem:$0x3FB1] =	sst s3  }
0xc: {  	[smem:$0x3FB2] =	sst s4  }
0xd: {  	[smem:$0x3FB3] =	sst s5  }
0xe: {  	[smem:$0x3FB4] =	sst s6  }
0xf: {  	[smem:$0x3FB5] =	sst s7  }
0x10: {  	[smem:$0x3FB6] =	sst s8  }
0x11: {  	[smem:$0x3FB7] =	sst s9;
	s0 =	simm.s32 @!p0 $0x0  }
0x12: {  	s1 =	sld [smem:$0x3F9D];
	s0 =	simm.s32 @p0 $0x1  }
0x13: {  	[smem:$0x3FB8] =	sst s0;
	s0 =	simm.s32 @!p1 $0x0  }
0x14: {  	s2 =	sld [smem:$0x3F9C];
	s0 =	simm.s32 @p1 $0x1  }
0x15: {  	[smem:$0x3FB9] =	sst s0;
	s0 =	simm.s32 @!p2 $0x0  }
0x16: {  	s3 =	sld [smem:$0x3FDB];
	s0 =	simm.s32 @p2 $0x1  }
0x17: {  	s4 =	simm.s32 $0x1BF5;
	[smem:$0x3FBB] =	sst s0  }
0x18: {  	s0 =	sld [smem:$0x3F9E];
	_ =	swait.ge [sflag:s4], $0x0  }
0x19: {  	s7 =	sld [smem:$0x3F9F]  }
0x1a: {  	s8 =	sadd.s32 $0xFFFFE003, lr  }
0x1b: {  	s9 =	sadd.s32 $0xFFFFFEF7, lr;
	s5 =	simm.s32 $0xFFFFFFFF;
	p2 =	slt.u32 s8, $0xFFFFF086  }
0x1c: {  	p1 =	slt.u32 s9, $0xF7A;
	s5 =	simm.s32 @!p2 $0x0  }
0x1d: {  	s5 =	simm.s32 @p1 $0x1;
	p0 =	seq.s32 s7, s2  }
0x1e: {  	s7 =	smul.u32 @!p0 $0xF7A, s2;
	p2 =	seq.s32 @!p0 s5, $0x0  }
0x1f: {  	s9 =	smul.u32 $0xF7A, s1;
	s8 =	simm.s32 @!p0 $0x1BF5;
	p2 =	por !p2, p0  }
0x20: {  	[sflag:s8] =	ssyncset.s32 @!p0 $0xFFFFF086;
	s6 =	sadd.s32 @!p0 s3, s7;
	s7 =	simm.s32 @!p0 $0x108  }
0x21: {  	s3 =	sadd.s32 s3, s9;
	s6 =	sadd.s32 @!p0 $0x88, s6;
	s7 =	simm.s32 @p2 $0x1082  }
0x22: {  	[simem:s7], [sflag:s8] =	dma.local @!p0 [hbm:s6], $0xF7A  }
0x23: {  	s9 =	sor.u32 $0xD0000000, s2;
	s6 =	simm.s32 $0x108;
	_ =	swait.ge @!p0 [sflag:s8], $0x0  }
0x24: {  	s3 =	sadd.s32 $0x88, s3;
	s6 =	simm.s32 @!p1 $0x1082;
	[sflag:s4] =	ssyncset.s32 $0xFFFFF086  }
0x25: {  	[simem:s6], [sflag:s4] =	dma.local [hbm:s3], $0xF7A  }
0x26: {  	[smem:$0x3F9F] =	sst s1;
	(tag) =	ssettag s2;
	_ =	strace s9  }
0x27: {  	s1 =	sld [smem:$0x3FAF]  }
0x28: {  	s2 =	sld [smem:$0x3FB0]  }
0x29: {  	s4 =	sld [smem:$0x3FB2]  }
0x2a: {  	p0 =	seq.s32 s5, $0x0;
	s5 =	sld [smem:$0x3FB3]  }
0x2b: {  	s6 =	sld [smem:$0x3FB4]  }
0x2c: {  	s7 =	sld [smem:$0x3FB5]  }
0x2d: {  	s3 =	simm.s32 $0x108;
	s8 =	sld [smem:$0x3FB6]  }
0x2e: {  	s3 =	simm.s32 @!p0 $0x1082;
	s9 =	sld [smem:$0x3FB7]  }
0x2f: {  	lr =	sadd.s32 s0, s3;
	s0 =	sld [smem:$0x3FAE]  }
0x30: {  	s3 =	sld [smem:$0x3FB1]  }
0x31: {  	[smem:$0x3FBA] =	sst s10  }
0x32: {  	s10 =	sld [smem:$0x3FB8];
	_ =	sdelay $0x3  }
0x33: {  	p0 =	seq.s32 s10, $0x1;
	s10 =	sld [smem:$0x3FBA];
	_ =	sdelay $0x3  }
0x34: {  	[smem:$0x3FBA] =	sst s10  }
0x35: {  	s10 =	sld [smem:$0x3FB9];
	_ =	sdelay $0x3  }
0x36: {  	p1 =	seq.s32 s10, $0x1;
	s10 =	sld [smem:$0x3FBA];
	_ =	sdelay $0x3  }
0x37: {  	[smem:$0x3FBA] =	sst s10  }
0x38: {  	s10 =	sld [smem:$0x3FBB]  }
0x39: {  	_ = 	snop;
	(pc) =	sbr.ind lr, $3  }
0x3a: {  	_ = 	snop  }
0x3b: {  	_ = 	snop  }
0x3c: {  	p2 =	seq.s32 s10, $0x1;
	s10 =	sld [smem:$0x3FBA]  }
0x3d: {  	_ =	shalt  }
0x3e: {  	_ =	shalt  }
0x3f: {  	_ =	shalt  }
0x40: {  	_ =	shalt  }
0x41: {  	_ =	shalt  }
0x42: {  	_ =	shalt  }
0x43: {  	_ =	shalt  }
0x44: {  	_ =	shalt  }
0x45: {  	_ =	shalt  }
0x46: {  	_ =	shalt  }
0x47: {  	_ =	shalt  }
0x48: {  	_ =	shalt  }
0x49: {  	_ =	shalt  }
0x4a: {  	_ =	shalt  }
0x4b: {  	_ =	shalt  }
0x4c: {  	_ =	shalt  }
0x4d: {  	_ =	shalt  }
0x4e: {  	_ =	shalt  }
0x4f: {  	_ =	shalt  }
0x50: {  	_ =	shalt  }
0x51: {  	_ =	shalt  }
0x52: {  	_ =	shalt  }
0x53: {  	_ =	shalt  }
0x54: {  	_ =	shalt  }
0x55: {  	_ =	shalt  }
0x56: {  	_ =	shalt  }
0x57: {  	_ =	shalt  }
0x58: {  	_ =	shalt  }
0x59: {  	_ =	shalt  }
0x5a: {  	_ =	shalt  }
0x5b: {  	_ =	shalt  }
0x5c: {  	_ =	shalt  }
0x5d: {  	_ =	shalt  }
0x5e: {  	_ =	shalt  }
0x5f: {  	_ =	shalt  }
0x60: {  	_ =	shalt  }
0x61: {  	_ =	shalt  }
0x62: {  	_ =	shalt  }
0x63: {  	_ =	shalt  }
0x64: {  	_ =	shalt  }
0x65: {  	_ =	shalt  }
0x66: {  	_ =	shalt  }
0x67: {  	_ =	shalt  }
0x68: {  	_ =	shalt  }
0x69: {  	_ =	shalt  }
0x6a: {  	_ =	shalt  }
0x6b: {  	_ =	shalt  }
0x6c: {  	_ =	shalt  }
0x6d: {  	_ =	shalt  }
0x6e: {  	_ =	shalt  }
0x6f: {  	_ =	shalt  }
0x70: {  	_ =	shalt  }
0x71: {  	_ =	shalt  }
0x72: {  	_ =	shalt  }
0x73: {  	_ =	shalt  }
0x74: {  	_ =	shalt  }
0x75: {  	_ =	shalt  }
0x76: {  	_ =	shalt  }
0x77: {  	_ =	shalt  }
0x78: {  	_ =	shalt  }
0x79: {  	_ =	shalt  }
0x7a: {  	_ =	shalt  }
0x7b: {  	_ =	shalt  }
0x7c: {  	_ =	shalt  }
0x7d: {  	_ =	shalt  }
0x7e: {  	_ =	shalt  }
0x7f: {  	_ =	shalt  }
0x80: {  	_ =	shalt  }
0x81: {  	_ =	shalt  }
0x82: {  	_ =	shalt  }
0x83: {  	_ =	shalt  }
0x84: {  	_ =	shalt  }
0x85: {  	_ =	shalt  }
0x86: {  	_ =	shalt  }
0x87: {  	_ =	shalt  }
.Lfunc_end0:
.L_simem_size_0:
called_computation.1_lowered:
.L_overlay_start_0:
0x88: {  	s2 =	sld [smem:$0x3FD9]  }
0x89: {  	s3 =	sld [smem:$0x3FFE];
	_ =	sdelay $0x1  }
0x8a: {  	s1 =	srdreg.scid  }
0x8b: {  	s0 =	sand.u32 $0x1, s1  }
0x8c: {  	s17 =	sshll.u32 s0, $0xA;
	s2 =	sadd.s32 s3, s2  }
0x8d: {  	s2 =	sadd.s32 s2, s17  }
0x8e: {  	[smem:$0x3FC6] =	sst s2  }
0x8f: {  	_ = 	snop  }
0x90: {  	s2 =	sld [smem:$0x3FD0];
	(tm) =	ssettm $0x1  }
0x91: {  	s18 =	sld [smem:$0x3FFB];
	_ =	sdelay $0x3  }
0x92: {  	_ =	strace s18  }
0x93: {  	s3 =	sld [smem:$0x3FFC];
	_ =	sdelay $0x3  }
0x94: {  	_ =	strace s3  }
0x95: {  	s3 =	sld [smem:$0x3FFD];
	_ =	sdelay $0x3  }
0x96: {  	_ =	strace s3  }
0x97: {  	_ =	strace $0x8FFFFFFF  }
0x98: {  	s19 =	sld [smem:$0x3FDB];
	_ =	sdelay $0x1  }
0x99: {  	s4 =	simm.s32 $_scs_section_size  }
0x9a: {  	s5 =	simm.s32 $_size__tile_overlayer_lowered;
	s6 =	simm.s32 $_tile_overlayer_lowered  }
0x9b: {  	s22 =	simm.s32 $0x1BFF;
	s21 =	sshll.u32 s6, $0x1;
	s3 =	sadd.s32 s4, s19  }
0x9c: {  	s7 =	simm.s32 $0x0;
	s20 =	sshll.u32 s5, $0x1;
	s5 =	sadd.s32 s21, s3  }
0x9d: {  	[timem:s7], [sflag:s22] =	dma.local [hbm:s5], s20  }
0x9e: {  	_ =	swait.ge [sflag:s22], s20  }
0x9f: {  	s4 =	ssub.s32 $0x0, s20;
	[sflag:s22] =	ssyncset.done $0x0  }
0xa0: {  	[sflag:s22] =	ssyncadd.s32 s4;
	_ =	sdelay $0x1  }
0xa1: {  	s23 =	simm.s32 $0x1B8B  }
0xa2: {  	_ =	swait.ge [sflag:s23], $0x1  }
0xa3: {  	[sflag:s23] =	ssyncset.done $0x0  }
0xa4: {  	s25 =	simm.s32 $0x1B8E;
	s24 =	sld [smem:$0x3FFE];
	[sflag:s23] =	ssyncadd.s32 $0xFFFFFFFF  }
0xa5: {  	s26 =	simm.s32 $execute0_lowered;
	[smem:$0x3FD2] =	sst s25  }
0xa6: {  	s5 =	sshll.u32 s26, $0x1;
	_ =	strace $0x80000046;
	[dreg:$0x1] =	wrdreg $0xFFFFFFFF  }
0xa7: {  	s28 =	simm.s32 $_size_execute0_lowered;
	s3 =	sadd.s32 s3, s5;
	[dreg:$0x0] =	wrdreg $0x0  }
0xa8: {  	s5 =	sshll.u32 s28, $0x1;
	[dreg:$0x2] =	wrdreg s3  }
0xa9: {  	[dreg:$0x3] =	wrdreg s5  }
0xaa: {  	[dreg:$0x4] =	wrdreg $0xC0  }
0xab: {  	_ =	task [dreg:s7], $0x5FFFF  }
0xac: {  	[dreg:$0x1] =	wrdreg $0xFFFFFFFF  }
0xad: {  	[dreg:$0x0] =	wrdreg $0x60  }
0xae: {  	[dreg:$0x2] =	wrdreg s24  }
0xaf: {  	[dreg:$0x3] =	wrdreg s2  }
0xb0: {  	[dreg:$0x4] =	wrdreg $0x9  }
0xb1: {  	_ =	task.clear_ibuf [dreg:s7], $0x5FFFF;
	_ =	strace $0x90000046  }
0xb2: {  	s29 =	simm.s32 $0x9;
	_ =	strace $0x80000048  }
0xb3: {  	_ =	swait.ge [sflag:s29], $0x1  }
0xb4: {  	[sflag:s29] =	ssyncadd.s32 $0xFFFFFFFF  }
0xb5: {  	_ =	strace $0x90000048  }
0xb6: {  	_ =	sfence  }
0xb7: {  	s30 =	sld [smem:$0x0];
	_ =	sdelay $0x2  }
0xb8: {  	s31 =	sshll.u32 s1, $0xD;
	s1 =	sshrl.u32 s1, $0x2  }
0xb9: {  	s3 =	sand.u32 $0x4000, s31;
	s1 =	sadd.s32 s1, s30  }
0xba: {  	s0 =	sor.u32 s3, s0;
	s1 =	sshll.u32 s1, $0x11  }
0xbb: {  	s0 =	sor.u32 s1, s0  }
0xbc: {  	s0 =	sadd.s32 $0x8F2B, s0  }
0xbd: {  	[sflag:s0] =	ssyncadd.remote.s32 $0x1  }
0xbe: {  	_ =	sfence.sel $0xFFFF  }
0xbf: {  	[dreg:$0x0] =	wrdreg $0xFFFFFFFF;
	(pc) =	sbr.abs _section_cstart, $3  }
0xc0: {  	[dreg:$0x1] =	wrdreg $0xFFFFFFFF  }
0xc1: {  	_ =	task.clear_ibuf [dreg:s7], $0x2FFFF;
	_ =	strace $0x9FFFFFFF  }
0xc2: {  	(tm) =	ssettm $0x7FFFFFFF  }
0xc3: {  	_ =	shalt  }
tec
execute0_lowered:
.L_overlay_start_1:
0x0: {  	(tag) =	ssettag $0x1  }
0x1: {  	s0 =	rddreg [dreg:$0x0];
	s1 =	srdreg.scid  }
0x2: {  	s6 =	stileid.u32;
	s4 =	rddreg [dreg:$0x1];
	s2 =	simm.s32 $0x0  }
0x3: {  	s9 =	simm.s32 $0x7000;
	s15 =	simm.s32 $0x9580;
	s17 =	simm.s32 $0xA200  }
0x4: {  	s19 =	simm.s32 $0xAE80;
	s21 =	simm.s32 $0xBB00;
	s23 =	simm.s32 $0xC780  }
0x5: {  	s28 =	simm.s32 $0xE080;
	s30 =	simm.s32 $0xED00;
	s10 =	simm.s32 $0x10600  }
0x6: {  	s14 =	simm.s32 $0x11280;
	s18 =	simm.s32 $0x11F00;
	s22 =	simm.s32 $0x12B80  }
0x7: {  	s29 =	simm.s32 $0x3;
	s31 =	simm.s32 $0x4;
	s12 =	simm.s32 $0x6  }
0x8: {  	s16 =	simm.s32 $0x7;
	s20 =	simm.s32 $0x8;
	s1 =	sand.u32 $0x1, s1  }
0x9: {  	s3 =	sshll.u32 s6, $0x1;
	[smem:$0x7FF] =	sst s2;
	s6 =	smul.u32 $0x64000, s6  }
0xa: {  	s3 =	sor.u32 s1, s3;
	s5 =	ssub.s32 $0x2, s1;
	s1 =	smul.u32 $0x32000, s1  }
0xb: {  	_ =	strace $0x80000047;
	s8 =	sshrl.u32 s5, $0x1;
	s4 =	sadd.s32 s6, s4  }
0xc: {  	s3 =	smul.u32 $0xE00, s3;
	s24 =	ssub.s32 s5, s8;
	s26 =	sadd.s32 s1, s4  }
.Ltmp0:
0xd: {  	s8 =	simm.s32 $0x32;
	s1 =	simm.s32 $0xF980;
	(pc) =	sbr.rel .LBB2_1-.Ltmp0, $4  }
0xe: {  	s4 =	simm.s32 $0x0;
	s7 =	sadd.s32 s3, s0;
	s3 =	sadd.s32 $0xF42E00, s0  }
0xf: {  	s0 =	smax.u32 s24, $0x1;
	[dreg:$0x5] =	wrdreg s26;
	s24 =	simm.s32 $0x1  }
0x10: {  	s26 =	simm.s32 $0x2;
	s25 =	sadd.s32 $0xA00, s7;
	[dreg:$0x4] =	wrdreg s0  }
0x11: {  	s0 =	simm.s32 $0x5;
	[dreg:$0x3] =	wrdreg s25;
	s25 =	simm.s32 $0xD400  }
.LBB2_3:
0x12: {  	_ =	swait.ge [sflag:s12], $0x3200  }
0x13: {  	[sflag:s12] =	ssyncset.done $0x0  }
0x14: {  	[sflag:s12] =	ssyncadd.s32 $0xFFFFCE00  }
0x15: {  	_ =	swait.ge [sflag:s16], $0x3200  }
0x16: {  	[sflag:s16] =	ssyncset.done $0x0  }
0x17: {  	[sflag:s16] =	ssyncadd.s32 $0xFFFFCE00  }
0x18: {  	_ =	swait.ge [sflag:s20], $0x3200  }
0x19: {  	[sflag:s20] =	ssyncset.done $0x0  }
0x1a: {  	[sflag:s20] =	ssyncadd.s32 $0xFFFFCE00  }
.LBB2_5:
0x1b: {  	s4 =	sadd.s32 $0x1, s4;
	s5 =	rddreg [dreg:$0x4]  }
0x1c: {  	p0 =	sne.s32 s4, s5  }
.Ltmp1:
0x1d: {  	_ = 	snop;
	(pc) =	sbr.rel @!p0 .LBB2_6-.Ltmp1, $1  }
0x1e: {  	_ =	sdelay $0x3  }
.LBB2_1:
0x1f: {  	s5 =	rddreg [dreg:$0x3];
	s11 =	simm.s32 $0x9  }
0x20: {  	[tilespmem:s2], [sflag:$0x9] =	stream.linear.gather [hbm4b:s5+s2], $0x7000, $0x38;
	[tilespmem:$0x13800] =	vst v63  }
0x21: {  	_ =	swait.ge [sflag:s11], $0x7000  }
0x22: {  	[sflag:s11] =	ssyncset.done $0x0  }
0x23: {  	[sflag:s11] =	ssyncadd.s32 $0xFFFF9000  }
0x24: {  	[tilespmem:s9], [sflag:$0x1] =	stream.indirect.gather [hbm4b:s3+s8], $0x40, s2, s8, $0xb8;
	[tilespmem:$0x13800] =	vst v63  }
0x25: {  	s13 =	simm.s32 $0x38;
	s6 =	simm.s32 $0x7C80  }
0x26: {  	[tilespmem:s6], [sflag:$0x1] =	stream.indirect.gather [hbm4b:s3+s8], $0x40, s13, s8, $0xb8;
	[tilespmem:$0x13800] =	vst v63  }
0x27: {  	s7 =	simm.s32 $0x70;
	s11 =	simm.s32 $0x8900  }
0x28: {  	[tilespmem:s11], [sflag:$0x1] =	stream.indirect.gather [hbm4b:s3+s8], $0x40, s7, s8, $0xb8;
	[tilespmem:$0x13800] =	vst v63  }
0x29: {  	s13 =	simm.s32 $0xA8  }
0x2a: {  	[tilespmem:s15], [sflag:$0x1] =	stream.indirect.gather [hbm4b:s3+s8], $0x40, s13, s8, $0xb8;
	[tilespmem:$0x13800] =	vst v63  }
0x2b: {  	s6 =	simm.s32 $0xE0  }
0x2c: {  	[tilespmem:s17], [sflag:$0x2] =	stream.indirect.gather [hbm4b:s3+s8], $0x40, s6, s8, $0xb8;
	[tilespmem:$0x13800] =	vst v63  }
0x2d: {  	s7 =	simm.s32 $0x118  }
0x2e: {  	[tilespmem:s19], [sflag:$0x2] =	stream.indirect.gather [hbm4b:s3+s8], $0x40, s7, s8, $0xb8;
	[tilespmem:$0x13800] =	vst v63  }
0x2f: {  	s11 =	simm.s32 $0x150  }
0x30: {  	[tilespmem:s21], [sflag:$0x2] =	stream.indirect.gather [hbm4b:s3+s8], $0x40, s11, s8, $0xb8;
	[tilespmem:$0x13800] =	vst v63  }
0x31: {  	s13 =	simm.s32 $0x188  }
0x32: {  	[tilespmem:s23], [sflag:$0x2] =	stream.indirect.gather [hbm4b:s3+s8], $0x40, s13, s8, $0xb8;
	[tilespmem:$0x13800] =	vst v63  }
0x33: {  	s6 =	simm.s32 $0x1C0  }
0x34: {  	[tilespmem:s25], [sflag:$0x3] =	stream.indirect.gather [hbm4b:s3+s8], $0x40, s6, s8, $0xb8;
	[tilespmem:$0x13800] =	vst v63  }
0x35: {  	s7 =	simm.s32 $0x1F8  }
0x36: {  	[tilespmem:s28], [sflag:$0x3] =	stream.indirect.gather [hbm4b:s3+s8], $0x40, s7, s8, $0xb8;
	[tilespmem:$0x13800] =	vst v63  }
0x37: {  	s11 =	simm.s32 $0x230  }
0x38: {  	[tilespmem:s30], [sflag:$0x3] =	stream.indirect.gather [hbm4b:s3+s8], $0x40, s11, s8, $0xb8;
	[tilespmem:$0x13800] =	vst v63  }
0x39: {  	s13 =	simm.s32 $0x268  }
0x3a: {  	[tilespmem:s1], [sflag:$0x3] =	stream.indirect.gather [hbm4b:s3+s8], $0x40, s13, s8, $0xb8;
	[tilespmem:$0x13800] =	vst v63  }
0x3b: {  	s6 =	simm.s32 $0x2A0  }
0x3c: {  	[tilespmem:s10], [sflag:$0x4] =	stream.indirect.gather [hbm4b:s3+s8], $0x40, s6, s8, $0xb8;
	[tilespmem:$0x13800] =	vst v63  }
0x3d: {  	s7 =	simm.s32 $0x2D8  }
0x3e: {  	[tilespmem:s14], [sflag:$0x4] =	stream.indirect.gather [hbm4b:s3+s8], $0x40, s7, s8, $0xb8;
	[tilespmem:$0x13800] =	vst v63  }
0x3f: {  	s11 =	simm.s32 $0x310  }
0x40: {  	[tilespmem:s18], [sflag:$0x4] =	stream.indirect.gather [hbm4b:s3+s8], $0x40, s11, s8, $0xb8;
	[tilespmem:$0x13800] =	vst v63  }
0x41: {  	s5 =	simm.s32 $0x0;
	s13 =	simm.s32 $0x348;
	s6 =	rddreg [dreg:$0x5]  }
0x42: {  	[tilespmem:s22], [sflag:$0x4] =	stream.indirect.gather [hbm4b:s3+s8], $0x40, s13, s8, $0xb8;
	[tilespmem:$0x13800] =	vst v63  }
.LBB2_2:
0x43: {  	_ =	swait.ge [sflag:s24], $0xC80  }
0x44: {  	[sflag:s24] =	ssyncset.done $0x0  }
0x45: {  	[sflag:s24] =	ssyncadd.s32 $0xFFFFF380  }
0x46: {  	_ =	swait.ge [sflag:s24], $0xC80  }
0x47: {  	[sflag:s24] =	ssyncset.done $0x0  }
0x48: {  	[sflag:s24] =	ssyncadd.s32 $0xFFFFF380  }
0x49: {  	_ =	swait.ge [sflag:s24], $0xC80  }
0x4a: {  	[sflag:s24] =	ssyncset.done $0x0  }
0x4b: {  	[sflag:s24] =	ssyncadd.s32 $0xFFFFF380  }
0x4c: {  	_ =	swait.ge [sflag:s24], $0xC80  }
0x4d: {  	[sflag:s24] =	ssyncset.done $0x0  }
0x4e: {  	[sflag:s24] =	ssyncadd.s32 $0xFFFFF380  }
0x4f: {  	[hbm4b:s6+s2] =	stream.linear.scatter [tilespmem:s9], [sflag:$0x5], $0x3200, $0x38;
	[tilespmem:$0x13800] =	vst v63  }
0x50: {  	_ =	swait.ge [sflag:s26], $0xC80  }
0x51: {  	[sflag:s26] =	ssyncset.done $0x0  }
0x52: {  	[sflag:s26] =	ssyncadd.s32 $0xFFFFF380  }
0x53: {  	_ =	swait.ge [sflag:s26], $0xC80  }
0x54: {  	[sflag:s26] =	ssyncset.done $0x0  }
0x55: {  	[sflag:s26] =	ssyncadd.s32 $0xFFFFF380  }
0x56: {  	_ =	swait.ge [sflag:s26], $0xC80  }
0x57: {  	[sflag:s26] =	ssyncset.done $0x0  }
0x58: {  	[sflag:s26] =	ssyncadd.s32 $0xFFFFF380  }
0x59: {  	_ =	swait.ge [sflag:s26], $0xC80  }
0x5a: {  	[sflag:s26] =	ssyncset.done $0x0  }
0x5b: {  	s7 =	sadd.s32 $0x640, s6;
	[sflag:s26] =	ssyncadd.s32 $0xFFFFF380  }
0x5c: {  	[hbm4b:s7+s2] =	stream.linear.scatter [tilespmem:s17], [sflag:$0x6], $0x3200, $0x38;
	[tilespmem:$0x13800] =	vst v63  }
0x5d: {  	_ =	swait.ge [sflag:s29], $0xC80  }
0x5e: {  	[sflag:s29] =	ssyncset.done $0x0  }
0x5f: {  	[sflag:s29] =	ssyncadd.s32 $0xFFFFF380  }
0x60: {  	_ =	swait.ge [sflag:s29], $0xC80  }
0x61: {  	[sflag:s29] =	ssyncset.done $0x0  }
0x62: {  	[sflag:s29] =	ssyncadd.s32 $0xFFFFF380  }
0x63: {  	_ =	swait.ge [sflag:s29], $0xC80  }
0x64: {  	[sflag:s29] =	ssyncset.done $0x0  }
0x65: {  	[sflag:s29] =	ssyncadd.s32 $0xFFFFF380  }
0x66: {  	_ =	swait.ge [sflag:s29], $0xC80  }
0x67: {  	[sflag:s29] =	ssyncset.done $0x0  }
0x68: {  	s11 =	sadd.s32 $0xC80, s6;
	[sflag:s29] =	ssyncadd.s32 $0xFFFFF380  }
0x69: {  	[hbm4b:s11+s2] =	stream.linear.scatter [tilespmem:s25], [sflag:$0x7], $0x3200, $0x38;
	[tilespmem:$0x13800] =	vst v63  }
0x6a: {  	_ =	swait.ge [sflag:s31], $0xC80  }
0x6b: {  	[sflag:s31] =	ssyncset.done $0x0  }
0x6c: {  	[sflag:s31] =	ssyncadd.s32 $0xFFFFF380  }
0x6d: {  	_ =	swait.ge [sflag:s31], $0xC80  }
0x6e: {  	[sflag:s31] =	ssyncset.done $0x0  }
0x6f: {  	[sflag:s31] =	ssyncadd.s32 $0xFFFFF380  }
0x70: {  	_ =	swait.ge [sflag:s31], $0xC80  }
0x71: {  	[sflag:s31] =	ssyncset.done $0x0  }
0x72: {  	[sflag:s31] =	ssyncadd.s32 $0xFFFFF380  }
0x73: {  	_ =	swait.ge [sflag:s31], $0xC80  }
0x74: {  	p0 =	sne.s32 s5, $0x1B200;
	[sflag:s31] =	ssyncset.done $0x0  }
.Ltmp2:
0x75: {  	s13 =	sadd.s32 $0x12C0, s6;
	[sflag:s31] =	ssyncadd.s32 $0xFFFFF380;
	(pc) =	sbr.rel @!p0 .LBB2_3-.Ltmp2, $4  }
0x76: {  	[hbm4b:s13+s2] =	stream.linear.scatter [tilespmem:s10], [sflag:$0x8], $0x3200, $0x38;
	[tilespmem:$0x13800] =	vst v63  }
0x77: {  	_ =	swait.ge [sflag:s0], $0x3200  }
0x78: {  	[sflag:s0] =	ssyncset.done $0x0  }
0x79: {  	[sflag:s0] =	ssyncadd.s32 $0xFFFFCE00  }
0x7a: {  	s7 =	sshra.s32 s5, $0x2  }
0x7b: {  	s11 =	sadd.s32 $0x380, s7  }
0x7c: {  	[tilespmem:s9], [sflag:$0x1] =	stream.indirect.gather [hbm4b:s3+s8], $0x40, s11, s8, $0xb8;
	[tilespmem:$0x13800] =	vst v63  }
0x7d: {  	s13 =	simm.s32 $0x7C80;
	s11 =	sadd.s32 $0x3B8, s7  }
0x7e: {  	[tilespmem:s13], [sflag:$0x1] =	stream.indirect.gather [hbm4b:s3+s8], $0x40, s11, s8, $0xb8;
	[tilespmem:$0x13800] =	vst v63  }
0x7f: {  	s11 =	sadd.s32 $0x3F0, s7;
	s13 =	simm.s32 $0x8900  }
0x80: {  	[tilespmem:s13], [sflag:$0x1] =	stream.indirect.gather [hbm4b:s3+s8], $0x40, s11, s8, $0xb8;
	[tilespmem:$0x13800] =	vst v63  }
0x81: {  	s13 =	sadd.s32 $0x428, s7  }
0x82: {  	[tilespmem:s15], [sflag:$0x1] =	stream.indirect.gather [hbm4b:s3+s8], $0x40, s13, s8, $0xb8;
	[tilespmem:$0x13800] =	vst v63  }
0x83: {  	_ =	swait.ge [sflag:s12], $0x3200  }
0x84: {  	[sflag:s12] =	ssyncset.done $0x0  }
0x85: {  	s13 =	sadd.s32 $0x460, s7;
	[sflag:s12] =	ssyncadd.s32 $0xFFFFCE00  }
0x86: {  	[tilespmem:s17], [sflag:$0x2] =	stream.indirect.gather [hbm4b:s3+s8], $0x40, s13, s8, $0xb8;
	[tilespmem:$0x13800] =	vst v63  }
0x87: {  	s13 =	sadd.s32 $0x498, s7  }
0x88: {  	[tilespmem:s19], [sflag:$0x2] =	stream.indirect.gather [hbm4b:s3+s8], $0x40, s13, s8, $0xb8;
	[tilespmem:$0x13800] =	vst v63  }
0x89: {  	s13 =	sadd.s32 $0x4D0, s7  }
0x8a: {  	[tilespmem:s21], [sflag:$0x2] =	stream.indirect.gather [hbm4b:s3+s8], $0x40, s13, s8, $0xb8;
	[tilespmem:$0x13800] =	vst v63  }
0x8b: {  	s13 =	sadd.s32 $0x508, s7  }
0x8c: {  	[tilespmem:s23], [sflag:$0x2] =	stream.indirect.gather [hbm4b:s3+s8], $0x40, s13, s8, $0xb8;
	[tilespmem:$0x13800] =	vst v63  }
0x8d: {  	_ =	swait.ge [sflag:s16], $0x3200  }
0x8e: {  	[sflag:s16] =	ssyncset.done $0x0  }
0x8f: {  	s13 =	sadd.s32 $0x540, s7;
	[sflag:s16] =	ssyncadd.s32 $0xFFFFCE00  }
0x90: {  	[tilespmem:s25], [sflag:$0x3] =	stream.indirect.gather [hbm4b:s3+s8], $0x40, s13, s8, $0xb8;
	[tilespmem:$0x13800] =	vst v63  }
0x91: {  	s13 =	sadd.s32 $0x578, s7  }
0x92: {  	[tilespmem:s28], [sflag:$0x3] =	stream.indirect.gather [hbm4b:s3+s8], $0x40, s13, s8, $0xb8;
	[tilespmem:$0x13800] =	vst v63  }
0x93: {  	s13 =	sadd.s32 $0x5B0, s7  }
0x94: {  	[tilespmem:s30], [sflag:$0x3] =	stream.indirect.gather [hbm4b:s3+s8], $0x40, s13, s8, $0xb8;
	[tilespmem:$0x13800] =	vst v63  }
0x95: {  	s13 =	sadd.s32 $0x5E8, s7  }
0x96: {  	[tilespmem:s1], [sflag:$0x3] =	stream.indirect.gather [hbm4b:s3+s8], $0x40, s13, s8, $0xb8;
	[tilespmem:$0x13800] =	vst v63  }
0x97: {  	_ =	swait.ge [sflag:s20], $0x3200  }
0x98: {  	[sflag:s20] =	ssyncset.done $0x0  }
0x99: {  	s5 =	sadd.s32 $0xE00, s5;
	s13 =	sadd.s32 $0x620, s7;
	[sflag:s20] =	ssyncadd.s32 $0xFFFFCE00  }
0x9a: {  	[tilespmem:s10], [sflag:$0x4] =	stream.indirect.gather [hbm4b:s3+s8], $0x40, s13, s8, $0xb8;
	[tilespmem:$0x13800] =	vst v63  }
0x9b: {  	p0 =	sne.s32 s5, $0x1C000;
	s13 =	sadd.s32 $0x658, s7  }
0x9c: {  	[tilespmem:s14], [sflag:$0x4] =	stream.indirect.gather [hbm4b:s3+s8], $0x40, s13, s8, $0xb8;
	[tilespmem:$0x13800] =	vst v63  }
.Ltmp3:
0x9d: {  	_ = 	snop;
	(pc) =	sbr.rel @p0 .LBB2_2-.Ltmp3, $4  }
.Ltmp4:
0x9e: {  	s13 =	sadd.s32 $0x690, s7;
	(pc) =	sbr.rel @!p0 .LBB2_5-.Ltmp4, $4  }
0x9f: {  	[tilespmem:s18], [sflag:$0x4] =	stream.indirect.gather [hbm4b:s3+s8], $0x40, s13, s8, $0xb8;
	[tilespmem:$0x13800] =	vst v63  }
0xa0: {  	s6 =	sadd.s32 $0x1900, s6;
	s7 =	sadd.s32 $0x6C8, s7  }
0xa1: {  	[tilespmem:s22], [sflag:$0x4] =	stream.indirect.gather [hbm4b:s3+s8], $0x40, s7, s8, $0xb8;
	[tilespmem:$0x13800] =	vst v63  }
0xa2: {  	_ = 	snop  }
.LBB2_6:
0xa3: {  	_ =	sfence.sel $0x180000  }
0xa4: {  	[bflag:$0x0] =	sbarrier.arrive $0xFFFF  }
0xa5: {  	_ =	strace $0x90000047  }
0xa6: {  	s0 =	stileid.u32;
	[bflag:$0x2] =	sbarrier.arrive $0xFFFF  }
0xa7: {  	p0 =	sne.s32 s0, $0x0;
	s0 =	rddreg [dreg:$0x2]  }
0xa8: {  	s0 =	sadd.s32 @!p0 $0x100000, s0  }
0xa9: {  	[sflag:s0] =	ssyncadd.tile.s32 @!p0 $0x1;
	_ =	shalt  }
.Lfunc_end2:
_tile_overlayer_lowered:
.L_overlay_start_2:
0xaa: {  	(tag) =	ssettag $0x2  }
0xab: {  	s0 =	rddreg [dreg:$0x0];
	s2 =	stileid.u32  }
0xac: {  	s1 =	rddreg [dreg:$0x1];
	p0 =	sne.s32 s2, $0x0  }
0xad: {  	s3 =	rddreg [dreg:$0x2];
	[bflag:$0x3] =	sbarrier.arrive $0xFFFF;
	s2 =	simm.s32 @!p0 $0x1C09  }
0xae: {  	[timem:s3], [sflag:s2] =	dma.local @!p0 [hbm:s0], s1  }
0xaf: {  	s0 =	simm.s32 @!p0 $0x9  }
0xb0: {  	_ =	swait.ge @!p0 [sflag:s0], s1  }
0xb1: {  	s1 =	ssub.s32 @!p0 $0x0, s1;
	[sflag:s0] =	ssyncset.done @!p0 $0x0  }
0xb2: {  	[sflag:s0] =	ssyncadd.s32 @!p0 s1  }
0xb3: {  	[bflag:$0x3] =	sbarrier.arrive $0xFFFF  }
0xb4: {  	_ =	shalt  }

// kernel: sparse-core-data-format-call.cloned.1.call-start
scs
called_computation_lowered:
.L_overlay_start_0:
0x0: {  	s2 =	sld [smem:$0x3FD9]  }
0x1: {  	s3 =	sld [smem:$0x3FFE];
	_ =	sdelay $0x1  }
0x2: {  	s1 =	srdreg.scid  }
0x3: {  	s0 =	sand.u32 $0x1, s1  }
0x4: {  	s18 =	sshll.u32 s0, $0xA;
	s2 =	sadd.s32 s3, s2  }
0x5: {  	s2 =	sadd.s32 s2, s18  }
0x6: {  	[smem:$0x3FC6] =	sst s2  }
0x7: {  	_ = 	snop  }
0x8: {  	s2 =	sld [smem:$0x3FD0];
	(tm) =	ssettm $0x1  }
0x9: {  	s19 =	sld [smem:$0x3FFB];
	_ =	sdelay $0x3  }
0xa: {  	_ =	strace s19  }
0xb: {  	s3 =	sld [smem:$0x3FFC];
	_ =	sdelay $0x3  }
0xc: {  	_ =	strace s3  }
0xd: {  	s3 =	sld [smem:$0x3FFD];
	_ =	sdelay $0x3  }
0xe: {  	_ =	strace s3  }
0xf: {  	_ =	strace $0x8FFFFFFF  }
0x10: {  	s20 =	sld [smem:$0x3FDB];
	_ =	sdelay $0x1  }
0x11: {  	s4 =	simm.s32 $_scs_section_size  }
0x12: {  	s5 =	simm.s32 $_size__tile_overlayer_lowered;
	s6 =	simm.s32 $_tile_overlayer_lowered  }
0x13: {  	s23 =	simm.s32 $0x1BFF;
	s22 =	sshll.u32 s6, $0x1;
	s3 =	sadd.s32 s4, s20  }
0x14: {  	s7 =	simm.s32 $0x0;
	s21 =	sshll.u32 s5, $0x1;
	s5 =	sadd.s32 s22, s3  }
0x15: {  	[timem:s7], [sflag:s23] =	dma.local [hbm:s5], s21  }
0x16: {  	_ =	swait.ge [sflag:s23], s21  }
0x17: {  	s4 =	ssub.s32 $0x0, s21;
	[sflag:s23] =	ssyncset.done $0x0  }
0x18: {  	[sflag:s23] =	ssyncadd.s32 s4;
	_ =	sdelay $0x1  }
0x19: {  	s24 =	simm.s32 $0x1B8B  }
0x1a: {  	_ =	swait.ge [sflag:s24], $0x1  }
0x1b: {  	[sflag:s24] =	ssyncset.done $0x0  }
0x1c: {  	s26 =	simm.s32 $0x1B8E;
	s25 =	sld [smem:$0x3FFE];
	[sflag:s24] =	ssyncadd.s32 $0xFFFFFFFF  }
0x1d: {  	s27 =	simm.s32 $execute0_lowered;
	[smem:$0x3FD2] =	sst s26  }
0x1e: {  	s5 =	sshll.u32 s27, $0x1;
	_ =	strace $0x80000049;
	[dreg:$0x1] =	wrdreg $0xFFFFFFFF  }
0x1f: {  	s28 =	simm.s32 $_size_execute0_lowered;
	s3 =	sadd.s32 s3, s5;
	[dreg:$0x0] =	wrdreg $0x0  }
0x20: {  	s5 =	sshll.u32 s28, $0x1;
	[dreg:$0x2] =	wrdreg s3  }
0x21: {  	[dreg:$0x3] =	wrdreg s5  }
0x22: {  	[dreg:$0x4] =	wrdreg $0xC0  }
0x23: {  	_ =	task [dreg:s7], $0x5FFFF  }
0x24: {  	[dreg:$0x1] =	wrdreg $0xFFFFFFFF  }
0x25: {  	[dreg:$0x0] =	wrdreg $0x60  }
0x26: {  	[dreg:$0x2] =	wrdreg s25  }
0x27: {  	[dreg:$0x3] =	wrdreg s2  }
0x28: {  	[dreg:$0x4] =	wrdreg $0x9  }
0x29: {  	_ =	task.clear_ibuf [dreg:s7], $0x5FFFF;
	_ =	strace $0x90000049  }
0x2a: {  	s29 =	simm.s32 $0x9;
	_ =	strace $0x8000004B  }
0x2b: {  	_ =	swait.ge [sflag:s29], $0x1  }
0x2c: {  	[sflag:s29] =	ssyncadd.s32 $0xFFFFFFFF  }
0x2d: {  	_ =	strace $0x9000004B  }
0x2e: {  	_ =	sfence  }
0x2f: {  	s30 =	sld [smem:$0x0];
	_ =	sdelay $0x2  }
0x30: {  	s31 =	sshll.u32 s1, $0xD;
	s1 =	sshrl.u32 s1, $0x2  }
0x31: {  	s3 =	sand.u32 $0x4000, s31;
	s1 =	sadd.s32 s1, s30  }
0x32: {  	s0 =	sor.u32 s3, s0;
	s1 =	sshll.u32 s1, $0x11  }
0x33: {  	s0 =	sor.u32 s1, s0  }
0x34: {  	s0 =	sadd.s32 $0x8F2B, s0  }
0x35: {  	[sflag:s0] =	ssyncadd.remote.s32 $0x1  }
0x36: {  	_ =	sfence.sel $0xFFFF  }
0x37: {  	[dreg:$0x0] =	wrdreg $0xFFFFFFFF;
	(pc) =	sbr.abs _section_cstart, $3  }
0x38: {  	[dreg:$0x1] =	wrdreg $0xFFFFFFFF  }
0x39: {  	_ =	task.clear_ibuf [dreg:s7], $0x2FFFF;
	_ =	strace $0x9FFFFFFF  }
0x3a: {  	(tm) =	ssettm $0x7FFFFFFF  }
0x3b: {  	_ =	shalt  }
tec
execute0_lowered:
.L_overlay_start_1:
0x0: {  	(tag) =	ssettag $0x1  }
0x1: {  	s0 =	srdreg.scid  }
0x2: {  	s1 =	sshll.u32 s0, $0x4  }
0x3: {  	s0 =	stileid.u32;
	s1 =	sand.u32 $0x10, s1  }
0x4: {  	s1 =	sor.u32 s0, s1  }
0x5: {  	s6 =	rddreg [dreg:$0x0];
	s4 =	simm.s32 $0x1;
	s2 =	sshll.u32 s1, $0x7  }
0x6: {  	s7 =	simm.s32 $0x2;
	s12 =	simm.s32 $0x0;
	s1 =	ssub.s32 $0x4000, s2  }
0x7: {  	s8 =	simm.s32 $0x20000;
	s13 =	simm.s32 $0x0;
	s3 =	sand.u32 $0xF80, s1  }
0x8: {  	s9 =	simm.s32 $0x0;
	s5 =	sshrl.u32 s1, $0xC;
	p0 =	sne.s32 s3, $0x0  }
.Ltmp0:
0x9: {  	s1 =	rddreg [dreg:$0x2];
	s4 =	simm.s32 @!p0 $0x0;
	(pc) =	sbr.rel .LBB1_1-.Ltmp0, $4  }
0xa: {  	s11 =	simm.s32 $0x0;
	s3 =	rddreg [dreg:$0x1];
	s5 =	sadd.s32 s4, s5  }
0xb: {  	_ =	strace $0x8000004A;
	s4 =	simm.s32 $0x1;
	s5 =	smul.u32 $0x32, s5  }
0xc: {  	s6 =	sadd.s32 $0xA00, s6;
	s10 =	smov.u32 s2;
	[sflag:s4] =	ssyncpa.u1 $0x0  }
0xd: {  	p0 =	por $0x0, $0x0;
	[sflag:s7] =	ssyncpa.u1 $0x0;
	s7 =	sor.u32 $0x1, s5  }
.LBB1_4:
0xe: {  	s16 =	sshll.u32 s13, $0x3;
	s17 =	sand.u32 $0x78, s13  }
0xf: {  	s30 =	sand.u32 $0x1F800, s13;
	s12 =	sshll.u32 s12, $0x11;
	s16 =	sand.u32 $0x3C00, s16  }
0x10: {  	[tilespmem:s15+$0x810 ss:$0x81] =	vst.msk $0xffff, v2;
	s31 =	sand.u32 $0x7, s13;
	s16 =	sor.u32 s17, s16;
	s17 =	sadd.s32 s3, s30  }
0x11: {  	[tilespmem:s15+$0x1020 ss:$0x81] =	vst.msk $0xffff, v0;
	s13 =	sshll.u32 s31, $0x12;
	s12 =	sadd.s32 s12, s17;
	s16 =	sshrl.u32 s16, $0x3  }
0x12: {  	[tilespmem:s15+$0x0 ss:$0x81] =	vst.msk $0xffff, v1;
	s13 =	sor.u32 $0x400, s13;
	s12 =	sadd.s32 s16, s12  }
0x13: {  	[hbm4b:s12+s13] =	stream.strided.scatter [tilespmem:s14], [sflag:$0x2], $0x2000, s8, s13, $0x20;
	[tilespmem:$0x8080] =	vst v63  }
.LBB1_5:
0x14: {  	s14 =	sadd.s32 $0x1, s9  }
0x15: {  	s12 =	sadd.s32 $0x1000, s10;
	s16 =	smov.u32 s10;
	p2 =	sgt.s32 s14, $0x31  }
0x16: {  	s16 =	smov.u32 @p2 s12  }
0x17: {  	s14 =	simm.s32 @p2 $0x0;
	p2 =	sgt.s32 s16, $0x3FFF  }
0x18: {  	s16 =	smov.u32 @p2 s2;
	p2 =	sne.s32 s11, s7  }
.Ltmp1:
0x19: {  	p1 =	slt.u32 s11, $0x2;
	(pc) =	sbr.rel @!p2 .LBB1_6-.Ltmp1, $4  }
0x1a: {  	s15 =	simm.s32 @!p1 $0x2  }
0x1b: {  	s13 =	smov.u32 s10;
	p0 =	por !p0, !p0;
	_ =	swait.ge @!p1 [sflag:s15], $0x2000  }
0x1c: {  	s12 =	smov.u32 s9;
	[sflag:s15] =	ssyncset.done @!p1 $0x0;
	s9 =	smov.u32 s14  }
0x1d: {  	s11 =	sadd.s32 $0x1, s11;
	[sflag:s15] =	ssyncadd.s32 @!p1 $0xFFFFE000;
	s10 =	smov.u32 s16  }
.LBB1_1:
0x1e: {  	p1 =	sge.u32 s11, s5  }
0x1f: {  	s14 =	sand.u32 @!p1 $0x1FFFFFF, s9  }
0x20: {  	s15 =	smulhi.u32 @!p1 $0x4924925, s14;
	_ =	sdelay $0x1  }
0x21: {  	s15 =	smul.u32 @!p1 $0x38, s15  }
0x22: {  	s16 =	sxor.u32 @!p1 $0xFFFFFFFF, s11;
	s17 =	smul.u32 @!p1 $0x380, s10  }
0x23: {  	s31 =	sadd.s32 $0xFFFFFFFF, s11;
	s16 =	sshll.u32 @!p1 s16, $0xD;
	s14 =	ssub.s32 @!p1 s14, s15  }
0x24: {  	s15 =	sand.u32 @!p1 $0x2000, s16;
	s16 =	sadd.s32 @!p1 s6, s17;
	s14 =	sshll.u32 @!p1 s14, $0x4  }
0x25: {  	s17 =	simm.s32 @!p1 $0x1C00;
	s14 =	sadd.s32 @!p1 s14, s16;
	s16 =	simm.s32 @!p1 $0x40  }
0x26: {  	[tilespmem:s15], [sflag:$0x1] =	stream.strided.gather @!p1 [hbm4b:s14+s16], $0x2000, s17, s16, $0x38;
	[tilespmem:$0x8080] =	vst v63  }
0x27: {  	p1 =	sge.u32 s31, s5  }
.Ltmp2:
0x28: {  	_ = 	snop;
	(pc) =	sbr.rel @p1 .LBB1_5-.Ltmp2, $1  }
0x29: {  	_ =	sdelay $0x3  }
0x2a: {  	s14 =	simm.s32 $0x1  }
0x2b: {  	_ =	swait.ge [sflag:s4], $0x2000;
	s14 =	simm.s32 @!p0 $0x0  }
0x2c: {  	[sflag:s4] =	ssyncset.done $0x0;
	s15 =	sshll.u32 s14, $0xD  }
0x2d: {  	[sflag:s4] =	ssyncadd.s32 $0xFFFFE000;
	s18 =	sor.u32 $0x20, s15  }
0x2e: {  	s14 =	smul.u32 $0x8100, s14;
	v3 =	vld [tilespmem:s18+$0x10]  }
0x2f: {  	s30 =	sand.u32 $0x1, s11;
	v2 =	vld [tilespmem:s18+$0xFFFFFFF0]  }
0x30: {  	s15 =	smul.u32 $0x8100, s30;
	s14 =	sshrl.u32 s14, $0x2;
	v0 =	vld [tilespmem:s18+$0x0]  }
0x31: {  	v1 =	vld [tilespmem:s18+$0xFFFFFFE0];
	s16 =	sor.u32 $0x4000, s14  }
0x32: {  	s31 =	sshrl.u32 s15, $0x2;
	s15 =	sadd.s32 $0x0, s16  }
0x33: {  	s17 =	simm.s32 $0x4;
	s18 =	sadd.s32 $0x40, s18;
	s14 =	sor.u32 $0x4000, s31;
	[tilespmem:s15+$0x1830 ss:$0x81] =	vst.msk $0xffff, v3  }
.LBB1_3:
0x34: {  	v3 =	vld [tilespmem:s18+$0x10];
	p1 =	sne.s32 s17, $0x1FC;
	[tilespmem:s15+$0x810 ss:$0x81] =	vst.msk $0xffff, v2;
	s19 =	smov.u32 s17;
	s17 =	sadd.s32 $0x4, s17  }
.Ltmp3:
0x35: {  	v2 =	vld [tilespmem:s18+$0xFFFFFFF0];
	[tilespmem:s15+$0x1020 ss:$0x81] =	vst.msk $0xffff, v0;
	(pc) =	sbr.rel @p1 .LBB1_3-.Ltmp3, $4  }
0x36: {  	v0 =	vld [tilespmem:s18+$0x0];
	[tilespmem:s15+$0x0 ss:$0x81] =	vst.msk $0xffff, v1  }
0x37: {  	s15 =	sshra.s32 s19, $0x2;
	v1 =	vld [tilespmem:s18+$0xFFFFFFE0]  }
0x38: {  	s15 =	sadd.s32 s15, s16  }
0x39: {  	s18 =	sadd.s32 $0x40, s18;
	[tilespmem:s15+$0x1830 ss:$0x81] =	vst.msk $0xffff, v3  }
.Ltmp4:
0x3a: {  	_ = 	snop;
	(pc) =	sbr.rel .LBB1_4-.Ltmp4, $1  }
0x3b: {  	_ =	sdelay $0x3  }
.LBB1_6:
0x3c: {  	_ =	sfence.sel $0x180000  }
0x3d: {  	s2 =	simm.s32 $0x1;
	[bflag:$0x0] =	sbarrier.arrive $0xFFFF  }
0x3e: {  	s31 =	simm.s32 $0x2;
	[sflag:s2] =	ssyncpa.u1 $0x1  }
0x3f: {  	[sflag:s31] =	ssyncpa.u1 $0x1  }
0x40: {  	p0 =	sne.s32 s0, $0x0;
	_ =	strace $0x9000004A  }
0x41: {  	s0 =	sadd.s32 @!p0 $0x100000, s1;
	[bflag:$0x2] =	sbarrier.arrive $0xFFFF  }
0x42: {  	[sflag:s0] =	ssyncadd.tile.s32 @!p0 $0x1;
	_ =	shalt  }
.Lfunc_end1:
_tile_overlayer_lowered:
.L_overlay_start_2:
0x43: {  	(tag) =	ssettag $0x2  }
0x44: {  	s0 =	rddreg [dreg:$0x0];
	s2 =	stileid.u32  }
0x45: {  	s1 =	rddreg [dreg:$0x1];
	p0 =	sne.s32 s2, $0x0  }
0x46: {  	s3 =	rddreg [dreg:$0x2];
	[bflag:$0x3] =	sbarrier.arrive $0xFFFF;
	s2 =	simm.s32 @!p0 $0x1C01  }
0x47: {  	[timem:s3], [sflag:s2] =	dma.local @!p0 [hbm:s0], s1  }
0x48: {  	s0 =	simm.s32 @!p0 $0x1  }
0x49: {  	_ =	swait.ge @!p0 [sflag:s0], s1  }
0x4a: {  	s1 =	ssub.s32 @!p0 $0x0, s1;
	[sflag:s0] =	ssyncset.done @!p0 $0x0  }
0x4b: {  	[sflag:s0] =	ssyncadd.s32 @!p0 s1  }
0x4c: {  	[bflag:$0x3] =	sbarrier.arrive $0xFFFF  }
0x4d: {  	_ =	shalt  }

</sc_bundles>
